<compile_context>
chip_gen: v7x
topology: tpu7x:2x2x1
jax: 0.10.2.dev20260603
libtpu: 0.0.44.dev20260713+nightly
codegen_flags: <defaults>
</compile_context>

<pallas_src>
import functools

import jax
import jax.numpy as jnp
from jax import lax
from jax.experimental import pallas as pl
from jax.experimental.pallas import tpu as pltpu
from jax.experimental.pallas import tpu_sc as plsc

N_NODES = 10000
F = 128
E = 320000
NC = 2
NS = 16
NW = NC * NS
CHUNK = 128
NCH = 80
EPW = NCH * CHUNK
EP = NW * EPW
NP = 10240
RPT = NP // NS

_MESH = plsc.VectorSubcoreMesh(core_axis_name="c", subcore_axis_name="s")


def _make_agg(scalar, with_deg):
    fshape = () if scalar else (F,)
    out_type = [jax.ShapeDtypeStruct((NC * NP,) + fshape, jnp.float32)]
    scratch = [
        pltpu.VMEM((2, CHUNK), jnp.int32),
        pltpu.VMEM((2, CHUNK), jnp.int32),
        pltpu.VMEM((CHUNK,) + fshape, jnp.float32),
        pltpu.VMEM((CHUNK,) + fshape, jnp.float32),
        pltpu.VMEM_SHARED((NP,) + fshape, jnp.float32),
        pltpu.SemaphoreType.DMA,
        pltpu.SemaphoreType.DMA,
        pltpu.SemaphoreType.DMA,
        pltpu.SemaphoreType.DMA,
    ]
    if with_deg:
        out_type.append(jax.ShapeDtypeStruct((NC * NP,), jnp.float32))
        scratch += [
            pltpu.VMEM((CHUNK,), jnp.float32),
            pltpu.VMEM_SHARED((NP,), jnp.float32),
        ]

    @functools.partial(
        pl.kernel, mesh=_MESH,
        out_type=out_type,
        scratch_types=scratch,
    )
    def agg(*refs):
        if with_deg:
            (p_hbm, e_hbm, z_hbm, ones_hbm, zsca_hbm,
             out_hbm, deg_hbm, e0, e1, r0, r1, accum,
             sg0, sg1, si0, si1, onesv, dega) = refs
        else:
            (p_hbm, e_hbm, z_hbm,
             out_hbm, e0, e1, r0, r1, accum, sg0, sg1, si0, si1) = refs
        c = lax.axis_index("c")
        s = lax.axis_index("s")
        wid = c * NS + s
        row0 = s * RPT
        pltpu.sync_copy(z_hbm, accum.at[pl.ds(row0, RPT)])
        if with_deg:
            pltpu.sync_copy(zsca_hbm, dega.at[pl.ds(row0, RPT)])
            pltpu.sync_copy(ones_hbm, onesv)
        plsc.subcore_barrier()

        bufs = ((e0, r0, sg0, si0), (e1, r1, sg1, si1))
        pltpu.async_copy(e_hbm.at[wid, 0], e0, si0)
        pltpu.async_copy(e_hbm.at[wid, 1], e1, si1)
        pltpu.make_async_copy(e_hbm.at[wid, 0], e0, si0).wait()
        pltpu.async_copy(p_hbm.at[e0.at[0]], r0, sg0)

        def step(g, carry):
            for b in range(2):
                eb, rb, sgb, sib = bufs[b]
                en, rn, sgn, sin = bufs[1 - b]
                i = 2 * g + b
                pltpu.make_async_copy(p_hbm.at[eb.at[0]], rb, sgb).wait()
                pltpu.make_async_copy(
                    e_hbm.at[wid, jnp.minimum(i + 1, NCH - 1)], en,
                    sin).wait()
                pltpu.async_copy(p_hbm.at[en.at[0]], rn, sgn)
                pltpu.sync_copy(rb, accum.at[eb.at[1]], add=True)
                if with_deg:
                    pltpu.sync_copy(onesv, dega.at[eb.at[1]], add=True)
                pltpu.async_copy(
                    e_hbm.at[wid, jnp.minimum(i + 2, NCH - 1)], eb, sib)
            return carry

        lax.fori_loop(0, NCH // 2, step, 0)
        pltpu.make_async_copy(p_hbm.at[e0.at[0]], r0, sg0).wait()
        pltpu.make_async_copy(e_hbm.at[wid, NCH - 1], e1, si1).wait()
        plsc.subcore_barrier()
        out_row0 = c * NP + row0
        pltpu.sync_copy(accum.at[pl.ds(row0, RPT)],
                        out_hbm.at[pl.ds(out_row0, RPT)])
        if with_deg:
            pltpu.sync_copy(dega.at[pl.ds(row0, RPT)],
                            deg_hbm.at[pl.ds(out_row0, RPT)])

    return agg


_agg_f_deg = _make_agg(False, True)
_agg_f = _make_agg(False, False)
_agg_scalar = _make_agg(True, False)

_BR = 1024
_GRID = NP // _BR
_QW = 8


def _row_spec(w):
    return pl.BlockSpec((_BR, w), lambda i: (i, 0))


def _full_spec(r, w):
    return pl.BlockSpec((r, w), lambda i: (0, 0))


def _inv_deg(d0, d1):
    return 1.0 / jnp.maximum(d0[...] + d1[...], 1.0)


def _tc1_body(x, p0, p1, d0, d1, ws, wn, b, o):
    n = (p0[...] + p1[...]) * _inv_deg(d0, d1)
    h = (jnp.dot(x[...], ws[...], preferred_element_type=jnp.float32)
         + jnp.dot(n, wn[...], preferred_element_type=jnp.float32)
         + b[0:1, :])
    o[...] = jnp.maximum(h, 0.0)


def _tc2_body(h1, p0, p1, d0, d1, ws, wn, b, wn3, oh, oq):
    n = (p0[...] + p1[...]) * _inv_deg(d0, d1)
    h2 = (jnp.dot(h1[...], ws[...], preferred_element_type=jnp.float32)
          + jnp.dot(n, wn[...], preferred_element_type=jnp.float32)
          + b[0:1, :])
    h2 = jnp.maximum(h2, 0.0)
    oh[...] = h2
    oq[...] = jnp.dot(h2, wn3[...], preferred_element_type=jnp.float32)


def _tc3_body(h2, q0, q1, d0, d1, ws, b, o):
    n = (q0[...] + q1[...]) * _inv_deg(d0, d1)
    o[...] = (jnp.dot(h2[...], ws[...], preferred_element_type=jnp.float32)
              + n + b[0:1, :])


def kernel(x, edge_index, W_self1, W_neigh1, b1, W_self2, W_neigh2, b2,
           W_self3, W_neigh3, b3):
    pad = (N_NODES + jnp.arange(EP - E, dtype=jnp.int32)
           % (NP - N_NODES)).astype(jnp.int32)
    src = jnp.concatenate([edge_index[0], pad]).reshape(NW, NCH, 1, CHUNK)
    dst = jnp.concatenate([edge_index[1], pad]).reshape(NW, NCH, 1, CHUNK)
    edges = jnp.concatenate([src, dst], axis=2)
    xp = jnp.pad(x, ((0, NP - N_NODES), (0, 0)))
    zrow = jnp.zeros((RPT, F), jnp.float32)
    zsca = jnp.zeros((RPT,), jnp.float32)
    ones = jnp.ones((CHUNK,), jnp.float32)

    agg_x, deg = _agg_f_deg(xp, edges, zrow, ones, zsca)
    p0, p1 = agg_x[:NP], agg_x[NP:]
    d0 = deg[:NP, None]
    d1 = deg[NP:, None]

    b1r = jnp.broadcast_to(b1[None, :], (8, F))
    h1 = pl.pallas_call(
        _tc1_body,
        grid=(_GRID,),
        in_specs=[_row_spec(F), _row_spec(F), _row_spec(F),
                  _row_spec(1), _row_spec(1),
                  _full_spec(F, F), _full_spec(F, F), _full_spec(8, F)],
        out_specs=_row_spec(F),
        out_shape=jax.ShapeDtypeStruct((NP, F), jnp.float32),
    )(xp, p0, p1, d0, d1, W_self1, W_neigh1, b1r)

    agg_h1 = _agg_f(h1, edges, zrow)[0]
    p0, p1 = agg_h1[:NP], agg_h1[NP:]

    b2r = jnp.broadcast_to(b2[None, :], (8, F))
    wn3p = jnp.pad(W_neigh3, ((0, 0), (0, _QW - 1)))
    h2, q = pl.pallas_call(
        _tc2_body,
        grid=(_GRID,),
        in_specs=[_row_spec(F), _row_spec(F), _row_spec(F),
                  _row_spec(1), _row_spec(1),
                  _full_spec(F, F), _full_spec(F, F), _full_spec(8, F),
                  _full_spec(F, _QW)],
        out_specs=[_row_spec(F), _row_spec(_QW)],
        out_shape=[jax.ShapeDtypeStruct((NP, F), jnp.float32),
                   jax.ShapeDtypeStruct((NP, _QW), jnp.float32)],
    )(h1, p0, p1, d0, d1, W_self2, W_neigh2, b2r, wn3p)

    agg_q = _agg_scalar(q[:, 0], edges, zsca)[0]
    q0 = agg_q[:NP, None]
    q1 = agg_q[NP:, None]

    ws3p = jnp.pad(W_self3, ((0, 0), (0, _QW - 1)))
    b3r = jnp.broadcast_to(b3.reshape(1, 1), (8, _QW))
    out8 = pl.pallas_call(
        _tc3_body,
        grid=(_GRID,),
        in_specs=[_row_spec(F), _row_spec(1), _row_spec(1),
                  _row_spec(1), _row_spec(1),
                  _full_spec(F, _QW), _full_spec(8, _QW)],
        out_specs=_row_spec(_QW),
        out_shape=jax.ShapeDtypeStruct((NP, _QW), jnp.float32),
    )(h2, q0, q1, d0, d1, ws3p, b3r)

    return out8[:N_NODES, :1]

# --- scband reference (transcript-rebuilt; emitter-appended) ---
"""Pipeline reference for scband-sagenode-regression-76390288327436 (READ-ONLY COPY).

The authoritative reference and input builder live on the scoring server;
editing this copy changes nothing except your own understanding.
"""

import jax, jax.numpy as jnp
import numpy as np

N_NODES = 10000
N_EDGES = 320000
IN_FEATS = 128
N_HIDDEN = 128
OUT_FEATS = 1


def _sage_conv(h, src, dst, W_self, W_neigh, b, n_nodes):
    # DGL SAGEConv with 'mean' aggregator:
    #   h_neigh = mean_{u in N_in(v)} h_u ; rst = h @ W_self + h_neigh @ W_neigh + b
    msg = jnp.take(h, src, axis=0)                                   # gather over edges
    agg = jax.ops.segment_sum(msg, dst, num_segments=n_nodes)        # scatter-add by dst
    deg = jax.ops.segment_sum(jnp.ones((src.shape[0],), dtype=h.dtype), dst, num_segments=n_nodes)
    h_neigh = agg / jnp.clip(deg, 1.0, None)[:, None]
    return h @ W_self + h_neigh @ W_neigh + b


def setup_inputs(seed: int = 0) -> dict:
    key = jax.random.key(seed)
    ks = jax.random.split(key, 12)
    x = jax.random.normal(ks[0], (N_NODES, IN_FEATS), dtype=jnp.float32)
    edge_index = jax.random.randint(ks[1], (2, N_EDGES), 0, N_NODES, dtype=jnp.int64 if jax.config.read('jax_enable_x64') else jnp.int32)
    def glorot(k, shape):
        fan_in, fan_out = shape[0], shape[1]
        lim = np.sqrt(6.0 / (fan_in + fan_out))
        return jax.random.uniform(k, shape, dtype=jnp.float32, minval=-lim, maxval=lim)
    return {
        'x': x,
        'edge_index': edge_index,
        'W_self1': glorot(ks[2], (IN_FEATS, N_HIDDEN)),
        'W_neigh1': glorot(ks[3], (IN_FEATS, N_HIDDEN)),
        'b1': jnp.zeros((N_HIDDEN,), dtype=jnp.float32),
        'W_self2': glorot(ks[4], (N_HIDDEN, N_HIDDEN)),
        'W_neigh2': glorot(ks[5], (N_HIDDEN, N_HIDDEN)),
        'b2': jnp.zeros((N_HIDDEN,), dtype=jnp.float32),
        'W_self3': glorot(ks[6], (N_HIDDEN, OUT_FEATS)),
        'W_neigh3': glorot(ks[7], (N_HIDDEN, OUT_FEATS)),
        'b3': jnp.zeros((OUT_FEATS,), dtype=jnp.float32),
    }


def reference(x, edge_index, W_self1, W_neigh1, b1, W_self2, W_neigh2, b2, W_self3, W_neigh3, b3):
    src = edge_index[0]
    dst = edge_index[1]
    n = x.shape[0]
    h = _sage_conv(x, src, dst, W_self1, W_neigh1, b1, n)
    h = jax.nn.relu(h)   # dropout is identity in eval mode
    h = _sage_conv(h, src, dst, W_self2, W_neigh2, b2, n)
    h = jax.nn.relu(h)
    h = _sage_conv(h, src, dst, W_self3, W_neigh3, b3, n)
    return h

if __name__ == "__main__":
    import jax
    _d = setup_inputs()
    print(jax.jit(kernel)(*tuple(_d.values())))

</pallas_src>

<mosaic_0001>
#map = affine_map<(d0, d1) -> (0, 0)>
#map1 = affine_map<(d0, d1) -> (0, 0, 0, 0)>
#map2 = affine_map<(d0, d1) -> (0)>
module attributes {stable_mosaic.version = 14 : i64} {
  func.func @agg(%arg0: i32, %arg1: i32, %arg2: memref<10240x128xf32, #tpu.memory_space<hbm>>, %arg3: memref<32x80x2x128xi32, #tpu.memory_space<hbm>>, %arg4: memref<640x128xf32, #tpu.memory_space<hbm>>, %arg5: memref<128xf32, #tpu.memory_space<hbm>>, %arg6: memref<640xf32, #tpu.memory_space<hbm>>, %arg7: memref<20480x128xf32, #tpu.memory_space<hbm>>, %arg8: memref<20480xf32, #tpu.memory_space<hbm>>, %arg9: memref<2x128xi32, #tpu.memory_space<vmem>>, %arg10: memref<2x128xi32, #tpu.memory_space<vmem>>, %arg11: memref<128x128xf32, #tpu.memory_space<vmem>>, %arg12: memref<128x128xf32, #tpu.memory_space<vmem>>, %arg13: memref<10240x128xf32, #tpu.memory_space<vmem_shared>>, %arg14: memref<!tpu.dma_semaphore, #tpu.memory_space<semaphore_mem>>, %arg15: memref<!tpu.dma_semaphore, #tpu.memory_space<semaphore_mem>>, %arg16: memref<!tpu.dma_semaphore, #tpu.memory_space<semaphore_mem>>, %arg17: memref<!tpu.dma_semaphore, #tpu.memory_space<semaphore_mem>>, %arg18: memref<128xf32, #tpu.memory_space<vmem>>, %arg19: memref<10240xf32, #tpu.memory_space<vmem_shared>>) attributes {dimension_semantics = [#tpu.dimension_semantics<core_parallel>, #tpu.dimension_semantics<subcore_parallel>], iteration_bounds = array<i64: 2, 16>, scalar_prefetch = 0 : i64, scratch_operands = 11 : i64, tpu.core_type = #tpu.core_type<sc_vector_subcore>, window_params = [{transform_indices = #map}, {transform_indices = #map1}, {transform_indices = #map}, {transform_indices = #map2}, {transform_indices = #map2}, {transform_indices = #map}, {transform_indices = #map2}]} {
    %mul3A = arith.constant 16 : i32
    %mul3A_0 = arith.muli %arg0, %mul3A : i32
    %add3A = arith.addi %mul3A_0, %arg1 : i32
    %mul3A_1 = arith.constant 640 : i32
    %mul3A_2 = arith.muli %arg1, %mul3A_1 : i32
    "tpu.region"() ({
      %run_scoped3A = tpu.sem_alloc : memref<!tpu.dma_semaphore, #tpu.memory_space<semaphore_mem>>
      %dma_start3A_60 = arith.constant 0 : i32
      %dma_start3A_61 = tpu.memref_slice %arg13[%mul3A_2, %dma_start3A_60] : memref<10240x128xf32, #tpu.memory_space<vmem_shared>> -> memref<640x128xf32, #tpu.memory_space<vmem_shared>>
      tpu.enqueue_dma source(%arg4 : memref<640x128xf32, #tpu.memory_space<hbm>>) target(%dma_start3A_61 : memref<640x128xf32, #tpu.memory_space<vmem_shared>>) target_semaphore(%run_scoped3A : memref<!tpu.dma_semaphore, #tpu.memory_space<semaphore_mem>>)
      %dma_wait3A_62 = arith.constant 0 : i32
      %dma_wait3A_63 = tpu.memref_slice %arg13[%mul3A_2, %dma_wait3A_62] : memref<10240x128xf32, #tpu.memory_space<vmem_shared>> -> memref<640x128xf32, #tpu.memory_space<vmem_shared>>
      tpu.wait_dma2 semaphore(%run_scoped3A : memref<!tpu.dma_semaphore, #tpu.memory_space<semaphore_mem>>) src(%arg4 : memref<640x128xf32, #tpu.memory_space<hbm>>) dst(%dma_wait3A_63 : memref<640x128xf32, #tpu.memory_space<vmem_shared>>)
      tpu.yield
    }) : () -> ()
    "tpu.region"() ({
      %run_scoped3A = tpu.sem_alloc : memref<!tpu.dma_semaphore, #tpu.memory_space<semaphore_mem>>
      %dma_start3A_60 = tpu.memref_slice %arg19[%mul3A_2] : memref<10240xf32, #tpu.memory_space<vmem_shared>> -> memref<640xf32, #tpu.memory_space<vmem_shared>>
      tpu.enqueue_dma source(%arg6 : memref<640xf32, #tpu.memory_space<hbm>>) target(%dma_start3A_60 : memref<640xf32, #tpu.memory_space<vmem_shared>>) target_semaphore(%run_scoped3A : memref<!tpu.dma_semaphore, #tpu.memory_space<semaphore_mem>>)
      %dma_wait3A_61 = tpu.memref_slice %arg19[%mul3A_2] : memref<10240xf32, #tpu.memory_space<vmem_shared>> -> memref<640xf32, #tpu.memory_space<vmem_shared>>
      tpu.wait_dma2 semaphore(%run_scoped3A : memref<!tpu.dma_semaphore, #tpu.memory_space<semaphore_mem>>) src(%arg6 : memref<640xf32, #tpu.memory_space<hbm>>) dst(%dma_wait3A_61 : memref<640xf32, #tpu.memory_space<vmem_shared>>)
      tpu.yield
    }) : () -> ()
    "tpu.region"() ({
      %run_scoped3A = tpu.sem_alloc : memref<!tpu.dma_semaphore, #tpu.memory_space<semaphore_mem>>
      tpu.enqueue_dma source(%arg5 : memref<128xf32, #tpu.memory_space<hbm>>) target(%arg18 : memref<128xf32, #tpu.memory_space<vmem>>) target_semaphore(%run_scoped3A : memref<!tpu.dma_semaphore, #tpu.memory_space<semaphore_mem>>)
      tpu.wait_dma2 semaphore(%run_scoped3A : memref<!tpu.dma_semaphore, #tpu.memory_space<semaphore_mem>>) src(%arg5 : memref<128xf32, #tpu.memory_space<hbm>>) dst(%arg18 : memref<128xf32, #tpu.memory_space<vmem>>)
      tpu.yield
    }) : () -> ()
    %barrier3A = arith.constant 0 : index
    tpu.barrier barrier_id(%barrier3A)
    %dma_start3A = arith.constant 0 : i32
    %dma_start3A_3 = arith.constant 0 : i32
    %dma_start3A_4 = arith.constant 0 : i32
    %dma_start3A_5 = tpu.memref_slice %arg3[%add3A, %dma_start3A, %dma_start3A_3, %dma_start3A_4] : memref<32x80x2x128xi32, #tpu.memory_space<hbm>> -> memref<1x1x2x128xi32, #tpu.memory_space<hbm>>
    %dma_start3A_6 = tpu.memref_squeeze %dma_start3A_5 : memref<1x1x2x128xi32, #tpu.memory_space<hbm>> -> memref<2x128xi32, #tpu.memory_space<hbm>>
    %dma_start3A_7 = arith.constant 0 : i32
    %dma_start3A_8 = arith.constant 0 : i32
    %dma_start3A_9 = tpu.memref_slice %arg3[%add3A, %dma_start3A, %dma_start3A_7, %dma_start3A_8] : memref<32x80x2x128xi32, #tpu.memory_space<hbm>> -> memref<1x1x2x128xi32, #tpu.memory_space<hbm>>
    %dma_start3A_10 = tpu.memref_squeeze %dma_start3A_9 : memref<1x1x2x128xi32, #tpu.memory_space<hbm>> -> memref<2x128xi32, #tpu.memory_space<hbm>>
    tpu.enqueue_dma source(%dma_start3A_10 : memref<2x128xi32, #tpu.memory_space<hbm>>) target(%arg9 : memref<2x128xi32, #tpu.memory_space<vmem>>) target_semaphore(%arg16 : memref<!tpu.dma_semaphore, #tpu.memory_space<semaphore_mem>>)
    %dma_start3A_11 = arith.constant 1 : i32
    %dma_start3A_12 = arith.constant 0 : i32
    %dma_start3A_13 = arith.constant 0 : i32
    %dma_start3A_14 = tpu.memref_slice %arg3[%add3A, %dma_start3A_11, %dma_start3A_12, %dma_start3A_13] : memref<32x80x2x128xi32, #tpu.memory_space<hbm>> -> memref<1x1x2x128xi32, #tpu.memory_space<hbm>>
    %dma_start3A_15 = tpu.memref_squeeze %dma_start3A_14 : memref<1x1x2x128xi32, #tpu.memory_space<hbm>> -> memref<2x128xi32, #tpu.memory_space<hbm>>
    %dma_start3A_16 = arith.constant 0 : i32
    %dma_start3A_17 = arith.constant 0 : i32
    %dma_start3A_18 = tpu.memref_slice %arg3[%add3A, %dma_start3A_11, %dma_start3A_16, %dma_start3A_17] : memref<32x80x2x128xi32, #tpu.memory_space<hbm>> -> memref<1x1x2x128xi32, #tpu.memory_space<hbm>>
    %dma_start3A_19 = tpu.memref_squeeze %dma_start3A_18 : memref<1x1x2x128xi32, #tpu.memory_space<hbm>> -> memref<2x128xi32, #tpu.memory_space<hbm>>
    tpu.enqueue_dma source(%dma_start3A_19 : memref<2x128xi32, #tpu.memory_space<hbm>>) target(%arg10 : memref<2x128xi32, #tpu.memory_space<vmem>>) target_semaphore(%arg17 : memref<!tpu.dma_semaphore, #tpu.memory_space<semaphore_mem>>)
    %dma_wait3A = arith.constant 0 : i32
    %dma_wait3A_20 = arith.constant 0 : i32
    %dma_wait3A_21 = arith.constant 0 : i32
    %dma_wait3A_22 = tpu.memref_slice %arg3[%add3A, %dma_wait3A, %dma_wait3A_20, %dma_wait3A_21] : memref<32x80x2x128xi32, #tpu.memory_space<hbm>> -> memref<1x1x2x128xi32, #tpu.memory_space<hbm>>
    %dma_wait3A_23 = tpu.memref_squeeze %dma_wait3A_22 : memref<1x1x2x128xi32, #tpu.memory_space<hbm>> -> memref<2x128xi32, #tpu.memory_space<hbm>>
    %dma_wait3A_24 = arith.constant 0 : i32
    %dma_wait3A_25 = arith.constant 0 : i32
    %dma_wait3A_26 = tpu.memref_slice %arg3[%add3A, %dma_wait3A, %dma_wait3A_24, %dma_wait3A_25] : memref<32x80x2x128xi32, #tpu.memory_space<hbm>> -> memref<1x1x2x128xi32, #tpu.memory_space<hbm>>
    %dma_wait3A_27 = tpu.memref_squeeze %dma_wait3A_26 : memref<1x1x2x128xi32, #tpu.memory_space<hbm>> -> memref<2x128xi32, #tpu.memory_space<hbm>>
    tpu.wait_dma2 semaphore(%arg16 : memref<!tpu.dma_semaphore, #tpu.memory_space<semaphore_mem>>) src(%dma_wait3A_27 : memref<2x128xi32, #tpu.memory_space<hbm>>) dst(%arg9 : memref<2x128xi32, #tpu.memory_space<vmem>>)
    %dma_start3A_28 = arith.constant 0 : i32
    %dma_start3A_29 = arith.constant 0 : i32
    %dma_start3A_30 = tpu.memref_slice %arg9[%dma_start3A_28, %dma_start3A_29] : memref<2x128xi32, #tpu.memory_space<vmem>> -> memref<1x128xi32, #tpu.memory_space<vmem>>
    %dma_start3A_31 = tpu.memref_squeeze %dma_start3A_30 : memref<1x128xi32, #tpu.memory_space<vmem>> -> memref<128xi32, #tpu.memory_space<vmem>>
    %dma_start3A_32 = arith.constant 0 : i32
    %dma_start3A_33 = arith.constant 0 : i32
    %dma_start3A_34 = tpu.memref_slice %arg2[%dma_start3A_32, %dma_start3A_33] : memref<10240x128xf32, #tpu.memory_space<hbm>> -> memref<10240x128xf32, #tpu.memory_space<hbm>>
    tpu.enqueue_indirect_dma source(%dma_start3A_34 : memref<10240x128xf32, #tpu.memory_space<hbm>>) target(%arg11 : memref<128x128xf32, #tpu.memory_space<vmem>>) offsets(%dma_start3A_31 : memref<128xi32, #tpu.memory_space<vmem>>) semaphore(%arg14 : memref<!tpu.dma_semaphore, #tpu.memory_space<semaphore_mem>>)
    %scan3A = arith.constant 0 : i32
    %scan3A_35 = arith.constant 0 : i32
    %scan3A_36 = arith.constant 40 : i32
    %scan3A_37 = arith.addi %scan3A_35, %scan3A_36 : i32
    %scan3A_38 = arith.constant 1 : i32
    scf.for %scan3A_60 = %scan3A_35 to %scan3A_37 step %scan3A_38  : i32 {
      %mul3A_61 = arith.constant 2 : i32
      %mul3A_62 = arith.muli %mul3A_61, %scan3A_60 : i32
      %add3A_63 = arith.constant 0 : i32
      %add3A_64 = arith.addi %mul3A_62, %add3A_63 : i32
      %dma_wait3A_65 = arith.constant 0 : i32
      %dma_wait3A_66 = arith.constant 0 : i32
      %dma_wait3A_67 = tpu.memref_slice %arg9[%dma_wait3A_65, %dma_wait3A_66] : memref<2x128xi32, #tpu.memory_space<vmem>> -> memref<1x128xi32, #tpu.memory_space<vmem>>
      %dma_wait3A_68 = tpu.memref_squeeze %dma_wait3A_67 : memref<1x128xi32, #tpu.memory_space<vmem>> -> memref<128xi32, #tpu.memory_space<vmem>>
      %dma_wait3A_69 = arith.constant 0 : i32
      %dma_wait3A_70 = arith.constant 0 : i32
      %dma_wait3A_71 = tpu.memref_slice %arg2[%dma_wait3A_69, %dma_wait3A_70] : memref<10240x128xf32, #tpu.memory_space<hbm>> -> memref<10240x128xf32, #tpu.memory_space<hbm>>
      tpu.wait_indirect_dma semaphore(%arg14 : memref<!tpu.dma_semaphore, #tpu.memory_space<semaphore_mem>>) src(%dma_wait3A_71 : memref<10240x128xf32, #tpu.memory_space<hbm>>) dst(%arg11 : memref<128x128xf32, #tpu.memory_space<vmem>>)
      %add3A_72 = arith.constant 1 : i32
      %add3A_73 = arith.addi %add3A_64, %add3A_72 : i32
      %min3A = arith.constant 79 : i32
      %min3A_74 = arith.minsi %add3A_73, %min3A : i32
      %dma_wait3A_75 = arith.constant 0 : i32
      %dma_wait3A_76 = arith.constant 0 : i32
      %dma_wait3A_77 = tpu.memref_slice %arg3[%add3A, %min3A_74, %dma_wait3A_75, %dma_wait3A_76] : memref<32x80x2x128xi32, #tpu.memory_space<hbm>> -> memref<1x1x2x128xi32, #tpu.memory_space<hbm>>
      %dma_wait3A_78 = tpu.memref_squeeze %dma_wait3A_77 : memref<1x1x2x128xi32, #tpu.memory_space<hbm>> -> memref<2x128xi32, #tpu.memory_space<hbm>>
      %dma_wait3A_79 = arith.constant 0 : i32
      %dma_wait3A_80 = arith.constant 0 : i32
      %dma_wait3A_81 = tpu.memref_slice %arg3[%add3A, %min3A_74, %dma_wait3A_79, %dma_wait3A_80] : memref<32x80x2x128xi32, #tpu.memory_space<hbm>> -> memref<1x1x2x128xi32, #tpu.memory_space<hbm>>
      %dma_wait3A_82 = tpu.memref_squeeze %dma_wait3A_81 : memref<1x1x2x128xi32, #tpu.memory_space<hbm>> -> memref<2x128xi32, #tpu.memory_space<hbm>>
      tpu.wait_dma2 semaphore(%arg17 : memref<!tpu.dma_semaphore, #tpu.memory_space<semaphore_mem>>) src(%dma_wait3A_82 : memref<2x128xi32, #tpu.memory_space<hbm>>) dst(%arg10 : memref<2x128xi32, #tpu.memory_space<vmem>>)
      %dma_start3A_83 = arith.constant 0 : i32
      %dma_start3A_84 = arith.constant 0 : i32
      %dma_start3A_85 = tpu.memref_slice %arg10[%dma_start3A_83, %dma_start3A_84] : memref<2x128xi32, #tpu.memory_space<vmem>> -> memref<1x128xi32, #tpu.memory_space<vmem>>
      %dma_start3A_86 = tpu.memref_squeeze %dma_start3A_85 : memref<1x128xi32, #tpu.memory_space<vmem>> -> memref<128xi32, #tpu.memory_space<vmem>>
      %dma_start3A_87 = arith.constant 0 : i32
      %dma_start3A_88 = arith.constant 0 : i32
      %dma_start3A_89 = tpu.memref_slice %arg2[%dma_start3A_87, %dma_start3A_88] : memref<10240x128xf32, #tpu.memory_space<hbm>> -> memref<10240x128xf32, #tpu.memory_space<hbm>>
      tpu.enqueue_indirect_dma source(%dma_start3A_89 : memref<10240x128xf32, #tpu.memory_space<hbm>>) target(%arg12 : memref<128x128xf32, #tpu.memory_space<vmem>>) offsets(%dma_start3A_86 : memref<128xi32, #tpu.memory_space<vmem>>) semaphore(%arg15 : memref<!tpu.dma_semaphore, #tpu.memory_space<semaphore_mem>>)
      %run_scoped3A = arith.constant 1 : i32
      "tpu.region"() ({
        %run_scoped3A_147 = tpu.sem_alloc : memref<!tpu.dma_semaphore, #tpu.memory_space<semaphore_mem>>
        %dma_start3A_148 = arith.constant 0 : i32
        %dma_start3A_149 = tpu.memref_slice %arg9[%run_scoped3A, %dma_start3A_148] : memref<2x128xi32, #tpu.memory_space<vmem>> -> memref<1x128xi32, #tpu.memory_space<vmem>>
        %dma_start3A_150 = tpu.memref_squeeze %dma_start3A_149 : memref<1x128xi32, #tpu.memory_space<vmem>> -> memref<128xi32, #tpu.memory_space<vmem>>
        %dma_start3A_151 = arith.constant 0 : i32
        %dma_start3A_152 = arith.constant 0 : i32
        %dma_start3A_153 = tpu.memref_slice %arg13[%dma_start3A_151, %dma_start3A_152] : memref<10240x128xf32, #tpu.memory_space<vmem_shared>> -> memref<10240x128xf32, #tpu.memory_space<vmem_shared>>
        tpu.enqueue_indirect_dma source(%arg11 : memref<128x128xf32, #tpu.memory_space<vmem>>) target(%dma_start3A_153 : memref<10240x128xf32, #tpu.memory_space<vmem_shared>>) offsets(%dma_start3A_150 : memref<128xi32, #tpu.memory_space<vmem>>) semaphore(%run_scoped3A_147 : memref<!tpu.dma_semaphore, #tpu.memory_space<semaphore_mem>>) {add = true}
        %dma_wait3A_154 = arith.constant 0 : i32
        %dma_wait3A_155 = tpu.memref_slice %arg9[%run_scoped3A, %dma_wait3A_154] : memref<2x128xi32, #tpu.memory_space<vmem>> -> memref<1x128xi32, #tpu.memory_space<vmem>>
        %dma_wait3A_156 = tpu.memref_squeeze %dma_wait3A_155 : memref<1x128xi32, #tpu.memory_space<vmem>> -> memref<128xi32, #tpu.memory_space<vmem>>
        %dma_wait3A_157 = arith.constant 0 : i32
        %dma_wait3A_158 = arith.constant 0 : i32
        %dma_wait3A_159 = tpu.memref_slice %arg13[%dma_wait3A_157, %dma_wait3A_158] : memref<10240x128xf32, #tpu.memory_space<vmem_shared>> -> memref<10240x128xf32, #tpu.memory_space<vmem_shared>>
        tpu.wait_indirect_dma semaphore(%run_scoped3A_147 : memref<!tpu.dma_semaphore, #tpu.memory_space<semaphore_mem>>) src(%arg11 : memref<128x128xf32, #tpu.memory_space<vmem>>) dst(%dma_wait3A_159 : memref<10240x128xf32, #tpu.memory_space<vmem_shared>>)
        tpu.yield
      }) : () -> ()
      %run_scoped3A_90 = arith.constant 1 : i32
      "tpu.region"() ({
        %run_scoped3A_147 = tpu.sem_alloc : memref<!tpu.dma_semaphore, #tpu.memory_space<semaphore_mem>>
        %dma_start3A_148 = arith.constant 0 : i32
        %dma_start3A_149 = tpu.memref_slice %arg9[%run_scoped3A_90, %dma_start3A_148] : memref<2x128xi32, #tpu.memory_space<vmem>> -> memref<1x128xi32, #tpu.memory_space<vmem>>
        %dma_start3A_150 = tpu.memref_squeeze %dma_start3A_149 : memref<1x128xi32, #tpu.memory_space<vmem>> -> memref<128xi32, #tpu.memory_space<vmem>>
        %dma_start3A_151 = arith.constant 0 : i32
        %dma_start3A_152 = tpu.memref_slice %arg19[%dma_start3A_151] : memref<10240xf32, #tpu.memory_space<vmem_shared>> -> memref<10240xf32, #tpu.memory_space<vmem_shared>>
        tpu.enqueue_indirect_dma source(%arg18 : memref<128xf32, #tpu.memory_space<vmem>>) target(%dma_start3A_152 : memref<10240xf32, #tpu.memory_space<vmem_shared>>) offsets(%dma_start3A_150 : memref<128xi32, #tpu.memory_space<vmem>>) semaphore(%run_scoped3A_147 : memref<!tpu.dma_semaphore, #tpu.memory_space<semaphore_mem>>) {add = true}
        %dma_wait3A_153 = arith.constant 0 : i32
        %dma_wait3A_154 = tpu.memref_slice %arg9[%run_scoped3A_90, %dma_wait3A_153] : memref<2x128xi32, #tpu.memory_space<vmem>> -> memref<1x128xi32, #tpu.memory_space<vmem>>
        %dma_wait3A_155 = tpu.memref_squeeze %dma_wait3A_154 : memref<1x128xi32, #tpu.memory_space<vmem>> -> memref<128xi32, #tpu.memory_space<vmem>>
        %dma_wait3A_156 = arith.constant 0 : i32
        %dma_wait3A_157 = tpu.memref_slice %arg19[%dma_wait3A_156] : memref<10240xf32, #tpu.memory_space<vmem_shared>> -> memref<10240xf32, #tpu.memory_space<vmem_shared>>
        tpu.wait_indirect_dma semaphore(%run_scoped3A_147 : memref<!tpu.dma_semaphore, #tpu.memory_space<semaphore_mem>>) src(%arg18 : memref<128xf32, #tpu.memory_space<vmem>>) dst(%dma_wait3A_157 : memref<10240xf32, #tpu.memory_space<vmem_shared>>)
        tpu.yield
      }) : () -> ()
      %add3A_91 = arith.constant 2 : i32
      %add3A_92 = arith.addi %add3A_64, %add3A_91 : i32
      %min3A_93 = arith.constant 79 : i32
      %min3A_94 = arith.minsi %add3A_92, %min3A_93 : i32
      %dma_start3A_95 = arith.constant 0 : i32
      %dma_start3A_96 = arith.constant 0 : i32
      %dma_start3A_97 = tpu.memref_slice %arg3[%add3A, %min3A_94, %dma_start3A_95, %dma_start3A_96] : memref<32x80x2x128xi32, #tpu.memory_space<hbm>> -> memref<1x1x2x128xi32, #tpu.memory_space<hbm>>
      %dma_start3A_98 = tpu.memref_squeeze %dma_start3A_97 : memref<1x1x2x128xi32, #tpu.memory_space<hbm>> -> memref<2x128xi32, #tpu.memory_space<hbm>>
      %dma_start3A_99 = arith.constant 0 : i32
      %dma_start3A_100 = arith.constant 0 : i32
      %dma_start3A_101 = tpu.memref_slice %arg3[%add3A, %min3A_94, %dma_start3A_99, %dma_start3A_100] : memref<32x80x2x128xi32, #tpu.memory_space<hbm>> -> memref<1x1x2x128xi32, #tpu.memory_space<hbm>>
      %dma_start3A_102 = tpu.memref_squeeze %dma_start3A_101 : memref<1x1x2x128xi32, #tpu.memory_space<hbm>> -> memref<2x128xi32, #tpu.memory_space<hbm>>
      tpu.enqueue_dma source(%dma_start3A_102 : memref<2x128xi32, #tpu.memory_space<hbm>>) target(%arg9 : memref<2x128xi32, #tpu.memory_space<vmem>>) target_semaphore(%arg16 : memref<!tpu.dma_semaphore, #tpu.memory_space<semaphore_mem>>)
      %mul3A_103 = arith.constant 2 : i32
      %mul3A_104 = arith.muli %mul3A_103, %scan3A_60 : i32
      %add3A_105 = arith.constant 1 : i32
      %add3A_106 = arith.addi %mul3A_104, %add3A_105 : i32
      %dma_wait3A_107 = arith.constant 0 : i32
      %dma_wait3A_108 = arith.constant 0 : i32
      %dma_wait3A_109 = tpu.memref_slice %arg10[%dma_wait3A_107, %dma_wait3A_108] : memref<2x128xi32, #tpu.memory_space<vmem>> -> memref<1x128xi32, #tpu.memory_space<vmem>>
      %dma_wait3A_110 = tpu.memref_squeeze %dma_wait3A_109 : memref<1x128xi32, #tpu.memory_space<vmem>> -> memref<128xi32, #tpu.memory_space<vmem>>
      %dma_wait3A_111 = arith.constant 0 : i32
      %dma_wait3A_112 = arith.constant 0 : i32
      %dma_wait3A_113 = tpu.memref_slice %arg2[%dma_wait3A_111, %dma_wait3A_112] : memref<10240x128xf32, #tpu.memory_space<hbm>> -> memref<10240x128xf32, #tpu.memory_space<hbm>>
      tpu.wait_indirect_dma semaphore(%arg15 : memref<!tpu.dma_semaphore, #tpu.memory_space<semaphore_mem>>) src(%dma_wait3A_113 : memref<10240x128xf32, #tpu.memory_space<hbm>>) dst(%arg12 : memref<128x128xf32, #tpu.memory_space<vmem>>)
      %add3A_114 = arith.constant 1 : i32
      %add3A_115 = arith.addi %add3A_106, %add3A_114 : i32
      %min3A_116 = arith.constant 79 : i32
      %min3A_117 = arith.minsi %add3A_115, %min3A_116 : i32
      %dma_wait3A_118 = arith.constant 0 : i32
      %dma_wait3A_119 = arith.constant 0 : i32
      %dma_wait3A_120 = tpu.memref_slice %arg3[%add3A, %min3A_117, %dma_wait3A_118, %dma_wait3A_119] : memref<32x80x2x128xi32, #tpu.memory_space<hbm>> -> memref<1x1x2x128xi32, #tpu.memory_space<hbm>>
      %dma_wait3A_121 = tpu.memref_squeeze %dma_wait3A_120 : memref<1x1x2x128xi32, #tpu.memory_space<hbm>> -> memref<2x128xi32, #tpu.memory_space<hbm>>
      %dma_wait3A_122 = arith.constant 0 : i32
      %dma_wait3A_123 = arith.constant 0 : i32
      %dma_wait3A_124 = tpu.memref_slice %arg3[%add3A, %min3A_117, %dma_wait3A_122, %dma_wait3A_123] : memref<32x80x2x128xi32, #tpu.memory_space<hbm>> -> memref<1x1x2x128xi32, #tpu.memory_space<hbm>>
      %dma_wait3A_125 = tpu.memref_squeeze %dma_wait3A_124 : memref<1x1x2x128xi32, #tpu.memory_space<hbm>> -> memref<2x128xi32, #tpu.memory_space<hbm>>
      tpu.wait_dma2 semaphore(%arg16 : memref<!tpu.dma_semaphore, #tpu.memory_space<semaphore_mem>>) src(%dma_wait3A_125 : memref<2x128xi32, #tpu.memory_space<hbm>>) dst(%arg9 : memref<2x128xi32, #tpu.memory_space<vmem>>)
      %dma_start3A_126 = arith.constant 0 : i32
      %dma_start3A_127 = arith.constant 0 : i32
      %dma_start3A_128 = tpu.memref_slice %arg9[%dma_start3A_126, %dma_start3A_127] : memref<2x128xi32, #tpu.memory_space<vmem>> -> memref<1x128xi32, #tpu.memory_space<vmem>>
      %dma_start3A_129 = tpu.memref_squeeze %dma_start3A_128 : memref<1x128xi32, #tpu.memory_space<vmem>> -> memref<128xi32, #tpu.memory_space<vmem>>
      %dma_start3A_130 = arith.constant 0 : i32
      %dma_start3A_131 = arith.constant 0 : i32
      %dma_start3A_132 = tpu.memref_slice %arg2[%dma_start3A_130, %dma_start3A_131] : memref<10240x128xf32, #tpu.memory_space<hbm>> -> memref<10240x128xf32, #tpu.memory_space<hbm>>
      tpu.enqueue_indirect_dma source(%dma_start3A_132 : memref<10240x128xf32, #tpu.memory_space<hbm>>) target(%arg11 : memref<128x128xf32, #tpu.memory_space<vmem>>) offsets(%dma_start3A_129 : memref<128xi32, #tpu.memory_space<vmem>>) semaphore(%arg14 : memref<!tpu.dma_semaphore, #tpu.memory_space<semaphore_mem>>)
      %run_scoped3A_133 = arith.constant 1 : i32
      "tpu.region"() ({
        %run_scoped3A_147 = tpu.sem_alloc : memref<!tpu.dma_semaphore, #tpu.memory_space<semaphore_mem>>
        %dma_start3A_148 = arith.constant 0 : i32
        %dma_start3A_149 = tpu.memref_slice %arg10[%run_scoped3A_133, %dma_start3A_148] : memref<2x128xi32, #tpu.memory_space<vmem>> -> memref<1x128xi32, #tpu.memory_space<vmem>>
        %dma_start3A_150 = tpu.memref_squeeze %dma_start3A_149 : memref<1x128xi32, #tpu.memory_space<vmem>> -> memref<128xi32, #tpu.memory_space<vmem>>
        %dma_start3A_151 = arith.constant 0 : i32
        %dma_start3A_152 = arith.constant 0 : i32
        %dma_start3A_153 = tpu.memref_slice %arg13[%dma_start3A_151, %dma_start3A_152] : memref<10240x128xf32, #tpu.memory_space<vmem_shared>> -> memref<10240x128xf32, #tpu.memory_space<vmem_shared>>
        tpu.enqueue_indirect_dma source(%arg12 : memref<128x128xf32, #tpu.memory_space<vmem>>) target(%dma_start3A_153 : memref<10240x128xf32, #tpu.memory_space<vmem_shared>>) offsets(%dma_start3A_150 : memref<128xi32, #tpu.memory_space<vmem>>) semaphore(%run_scoped3A_147 : memref<!tpu.dma_semaphore, #tpu.memory_space<semaphore_mem>>) {add = true}
        %dma_wait3A_154 = arith.constant 0 : i32
        %dma_wait3A_155 = tpu.memref_slice %arg10[%run_scoped3A_133, %dma_wait3A_154] : memref<2x128xi32, #tpu.memory_space<vmem>> -> memref<1x128xi32, #tpu.memory_space<vmem>>
        %dma_wait3A_156 = tpu.memref_squeeze %dma_wait3A_155 : memref<1x128xi32, #tpu.memory_space<vmem>> -> memref<128xi32, #tpu.memory_space<vmem>>
        %dma_wait3A_157 = arith.constant 0 : i32
        %dma_wait3A_158 = arith.constant 0 : i32
        %dma_wait3A_159 = tpu.memref_slice %arg13[%dma_wait3A_157, %dma_wait3A_158] : memref<10240x128xf32, #tpu.memory_space<vmem_shared>> -> memref<10240x128xf32, #tpu.memory_space<vmem_shared>>
        tpu.wait_indirect_dma semaphore(%run_scoped3A_147 : memref<!tpu.dma_semaphore, #tpu.memory_space<semaphore_mem>>) src(%arg12 : memref<128x128xf32, #tpu.memory_space<vmem>>) dst(%dma_wait3A_159 : memref<10240x128xf32, #tpu.memory_space<vmem_shared>>)
        tpu.yield
      }) : () -> ()
      %run_scoped3A_134 = arith.constant 1 : i32
      "tpu.region"() ({
        %run_scoped3A_147 = tpu.sem_alloc : memref<!tpu.dma_semaphore, #tpu.memory_space<semaphore_mem>>
        %dma_start3A_148 = arith.constant 0 : i32
        %dma_start3A_149 = tpu.memref_slice %arg10[%run_scoped3A_134, %dma_start3A_148] : memref<2x128xi32, #tpu.memory_space<vmem>> -> memref<1x128xi32, #tpu.memory_space<vmem>>
        %dma_start3A_150 = tpu.memref_squeeze %dma_start3A_149 : memref<1x128xi32, #tpu.memory_space<vmem>> -> memref<128xi32, #tpu.memory_space<vmem>>
        %dma_start3A_151 = arith.constant 0 : i32
        %dma_start3A_152 = tpu.memref_slice %arg19[%dma_start3A_151] : memref<10240xf32, #tpu.memory_space<vmem_shared>> -> memref<10240xf32, #tpu.memory_space<vmem_shared>>
        tpu.enqueue_indirect_dma source(%arg18 : memref<128xf32, #tpu.memory_space<vmem>>) target(%dma_start3A_152 : memref<10240xf32, #tpu.memory_space<vmem_shared>>) offsets(%dma_start3A_150 : memref<128xi32, #tpu.memory_space<vmem>>) semaphore(%run_scoped3A_147 : memref<!tpu.dma_semaphore, #tpu.memory_space<semaphore_mem>>) {add = true}
        %dma_wait3A_153 = arith.constant 0 : i32
        %dma_wait3A_154 = tpu.memref_slice %arg10[%run_scoped3A_134, %dma_wait3A_153] : memref<2x128xi32, #tpu.memory_space<vmem>> -> memref<1x128xi32, #tpu.memory_space<vmem>>
        %dma_wait3A_155 = tpu.memref_squeeze %dma_wait3A_154 : memref<1x128xi32, #tpu.memory_space<vmem>> -> memref<128xi32, #tpu.memory_space<vmem>>
        %dma_wait3A_156 = arith.constant 0 : i32
        %dma_wait3A_157 = tpu.memref_slice %arg19[%dma_wait3A_156] : memref<10240xf32, #tpu.memory_space<vmem_shared>> -> memref<10240xf32, #tpu.memory_space<vmem_shared>>
        tpu.wait_indirect_dma semaphore(%run_scoped3A_147 : memref<!tpu.dma_semaphore, #tpu.memory_space<semaphore_mem>>) src(%arg18 : memref<128xf32, #tpu.memory_space<vmem>>) dst(%dma_wait3A_157 : memref<10240xf32, #tpu.memory_space<vmem_shared>>)
        tpu.yield
      }) : () -> ()
      %add3A_135 = arith.constant 2 : i32
      %add3A_136 = arith.addi %add3A_106, %add3A_135 : i32
      %min3A_137 = arith.constant 79 : i32
      %min3A_138 = arith.minsi %add3A_136, %min3A_137 : i32
      %dma_start3A_139 = arith.constant 0 : i32
      %dma_start3A_140 = arith.constant 0 : i32
      %dma_start3A_141 = tpu.memref_slice %arg3[%add3A, %min3A_138, %dma_start3A_139, %dma_start3A_140] : memref<32x80x2x128xi32, #tpu.memory_space<hbm>> -> memref<1x1x2x128xi32, #tpu.memory_space<hbm>>
      %dma_start3A_142 = tpu.memref_squeeze %dma_start3A_141 : memref<1x1x2x128xi32, #tpu.memory_space<hbm>> -> memref<2x128xi32, #tpu.memory_space<hbm>>
      %dma_start3A_143 = arith.constant 0 : i32
      %dma_start3A_144 = arith.constant 0 : i32
      %dma_start3A_145 = tpu.memref_slice %arg3[%add3A, %min3A_138, %dma_start3A_143, %dma_start3A_144] : memref<32x80x2x128xi32, #tpu.memory_space<hbm>> -> memref<1x1x2x128xi32, #tpu.memory_space<hbm>>
      %dma_start3A_146 = tpu.memref_squeeze %dma_start3A_145 : memref<1x1x2x128xi32, #tpu.memory_space<hbm>> -> memref<2x128xi32, #tpu.memory_space<hbm>>
      tpu.enqueue_dma source(%dma_start3A_146 : memref<2x128xi32, #tpu.memory_space<hbm>>) target(%arg10 : memref<2x128xi32, #tpu.memory_space<vmem>>) target_semaphore(%arg17 : memref<!tpu.dma_semaphore, #tpu.memory_space<semaphore_mem>>)
    }
    %scan3A_39 = arith.constant 40 : i32
    %dma_wait3A_40 = arith.constant 0 : i32
    %dma_wait3A_41 = arith.constant 0 : i32
    %dma_wait3A_42 = tpu.memref_slice %arg9[%dma_wait3A_40, %dma_wait3A_41] : memref<2x128xi32, #tpu.memory_space<vmem>> -> memref<1x128xi32, #tpu.memory_space<vmem>>
    %dma_wait3A_43 = tpu.memref_squeeze %dma_wait3A_42 : memref<1x128xi32, #tpu.memory_space<vmem>> -> memref<128xi32, #tpu.memory_space<vmem>>
    %dma_wait3A_44 = arith.constant 0 : i32
    %dma_wait3A_45 = arith.constant 0 : i32
    %dma_wait3A_46 = tpu.memref_slice %arg2[%dma_wait3A_44, %dma_wait3A_45] : memref<10240x128xf32, #tpu.memory_space<hbm>> -> memref<10240x128xf32, #tpu.memory_space<hbm>>
    tpu.wait_indirect_dma semaphore(%arg14 : memref<!tpu.dma_semaphore, #tpu.memory_space<semaphore_mem>>) src(%dma_wait3A_46 : memref<10240x128xf32, #tpu.memory_space<hbm>>) dst(%arg11 : memref<128x128xf32, #tpu.memory_space<vmem>>)
    %dma_wait3A_47 = arith.constant 79 : i32
    %dma_wait3A_48 = arith.constant 0 : i32
    %dma_wait3A_49 = arith.constant 0 : i32
    %dma_wait3A_50 = tpu.memref_slice %arg3[%add3A, %dma_wait3A_47, %dma_wait3A_48, %dma_wait3A_49] : memref<32x80x2x128xi32, #tpu.memory_space<hbm>> -> memref<1x1x2x128xi32, #tpu.memory_space<hbm>>
    %dma_wait3A_51 = tpu.memref_squeeze %dma_wait3A_50 : memref<1x1x2x128xi32, #tpu.memory_space<hbm>> -> memref<2x128xi32, #tpu.memory_space<hbm>>
    %dma_wait3A_52 = arith.constant 0 : i32
    %dma_wait3A_53 = arith.constant 0 : i32
    %dma_wait3A_54 = tpu.memref_slice %arg3[%add3A, %dma_wait3A_47, %dma_wait3A_52, %dma_wait3A_53] : memref<32x80x2x128xi32, #tpu.memory_space<hbm>> -> memref<1x1x2x128xi32, #tpu.memory_space<hbm>>
    %dma_wait3A_55 = tpu.memref_squeeze %dma_wait3A_54 : memref<1x1x2x128xi32, #tpu.memory_space<hbm>> -> memref<2x128xi32, #tpu.memory_space<hbm>>
    tpu.wait_dma2 semaphore(%arg17 : memref<!tpu.dma_semaphore, #tpu.memory_space<semaphore_mem>>) src(%dma_wait3A_55 : memref<2x128xi32, #tpu.memory_space<hbm>>) dst(%arg10 : memref<2x128xi32, #tpu.memory_space<vmem>>)
    %barrier3A_56 = arith.constant 0 : index
    tpu.barrier barrier_id(%barrier3A_56)
    %mul3A_57 = arith.constant 10240 : i32
    %mul3A_58 = arith.muli %arg0, %mul3A_57 : i32
    %add3A_59 = arith.addi %mul3A_58, %mul3A_2 : i32
    "tpu.region"() ({
      %run_scoped3A = tpu.sem_alloc : memref<!tpu.dma_semaphore, #tpu.memory_space<semaphore_mem>>
      %dma_start3A_60 = arith.constant 0 : i32
      %dma_start3A_61 = tpu.memref_slice %arg7[%add3A_59, %dma_start3A_60] : memref<20480x128xf32, #tpu.memory_space<hbm>> -> memref<640x128xf32, #tpu.memory_space<hbm>>
      %dma_start3A_62 = arith.constant 0 : i32
      %dma_start3A_63 = tpu.memref_slice %arg13[%mul3A_2, %dma_start3A_62] : memref<10240x128xf32, #tpu.memory_space<vmem_shared>> -> memref<640x128xf32, #tpu.memory_space<vmem_shared>>
      tpu.enqueue_dma source(%dma_start3A_63 : memref<640x128xf32, #tpu.memory_space<vmem_shared>>) target(%dma_start3A_61 : memref<640x128xf32, #tpu.memory_space<hbm>>) target_semaphore(%run_scoped3A : memref<!tpu.dma_semaphore, #tpu.memory_space<semaphore_mem>>)
      %dma_wait3A_64 = arith.constant 0 : i32
      %dma_wait3A_65 = tpu.memref_slice %arg7[%add3A_59, %dma_wait3A_64] : memref<20480x128xf32, #tpu.memory_space<hbm>> -> memref<640x128xf32, #tpu.memory_space<hbm>>
      %dma_wait3A_66 = arith.constant 0 : i32
      %dma_wait3A_67 = tpu.memref_slice %arg13[%mul3A_2, %dma_wait3A_66] : memref<10240x128xf32, #tpu.memory_space<vmem_shared>> -> memref<640x128xf32, #tpu.memory_space<vmem_shared>>
      tpu.wait_dma2 semaphore(%run_scoped3A : memref<!tpu.dma_semaphore, #tpu.memory_space<semaphore_mem>>) src(%dma_wait3A_67 : memref<640x128xf32, #tpu.memory_space<vmem_shared>>) dst(%dma_wait3A_65 : memref<640x128xf32, #tpu.memory_space<hbm>>)
      tpu.yield
    }) : () -> ()
    "tpu.region"() ({
      %run_scoped3A = tpu.sem_alloc : memref<!tpu.dma_semaphore, #tpu.memory_space<semaphore_mem>>
      %dma_start3A_60 = tpu.memref_slice %arg8[%add3A_59] : memref<20480xf32, #tpu.memory_space<hbm>> -> memref<640xf32, #tpu.memory_space<hbm>>
      %dma_start3A_61 = tpu.memref_slice %arg19[%mul3A_2] : memref<10240xf32, #tpu.memory_space<vmem_shared>> -> memref<640xf32, #tpu.memory_space<vmem_shared>>
      tpu.enqueue_dma source(%dma_start3A_61 : memref<640xf32, #tpu.memory_space<vmem_shared>>) target(%dma_start3A_60 : memref<640xf32, #tpu.memory_space<hbm>>) target_semaphore(%run_scoped3A : memref<!tpu.dma_semaphore, #tpu.memory_space<semaphore_mem>>)
      %dma_wait3A_62 = tpu.memref_slice %arg8[%add3A_59] : memref<20480xf32, #tpu.memory_space<hbm>> -> memref<640xf32, #tpu.memory_space<hbm>>
      %dma_wait3A_63 = tpu.memref_slice %arg19[%mul3A_2] : memref<10240xf32, #tpu.memory_space<vmem_shared>> -> memref<640xf32, #tpu.memory_space<vmem_shared>>
      tpu.wait_dma2 semaphore(%run_scoped3A : memref<!tpu.dma_semaphore, #tpu.memory_space<semaphore_mem>>) src(%dma_wait3A_63 : memref<640xf32, #tpu.memory_space<vmem_shared>>) dst(%dma_wait3A_62 : memref<640xf32, #tpu.memory_space<hbm>>)
      tpu.yield
    }) : () -> ()
    return
  }
}

#map = affine_map<(d0, d1) -> (0, 0)>
#map1 = affine_map<(d0, d1) -> (0, 0, 0, 0)>
module attributes {stable_mosaic.version = 14 : i64} {
  func.func @agg(%arg0: i32, %arg1: i32, %arg2: memref<10240x128xf32, #tpu.memory_space<hbm>>, %arg3: memref<32x80x2x128xi32, #tpu.memory_space<hbm>>, %arg4: memref<640x128xf32, #tpu.memory_space<hbm>>, %arg5: memref<20480x128xf32, #tpu.memory_space<hbm>>, %arg6: memref<2x128xi32, #tpu.memory_space<vmem>>, %arg7: memref<2x128xi32, #tpu.memory_space<vmem>>, %arg8: memref<128x128xf32, #tpu.memory_space<vmem>>, %arg9: memref<128x128xf32, #tpu.memory_space<vmem>>, %arg10: memref<10240x128xf32, #tpu.memory_space<vmem_shared>>, %arg11: memref<!tpu.dma_semaphore, #tpu.memory_space<semaphore_mem>>, %arg12: memref<!tpu.dma_semaphore, #tpu.memory_space<semaphore_mem>>, %arg13: memref<!tpu.dma_semaphore, #tpu.memory_space<semaphore_mem>>, %arg14: memref<!tpu.dma_semaphore, #tpu.memory_space<semaphore_mem>>) attributes {dimension_semantics = [#tpu.dimension_semantics<core_parallel>, #tpu.dimension_semantics<subcore_parallel>], iteration_bounds = array<i64: 2, 16>, scalar_prefetch = 0 : i64, scratch_operands = 9 : i64, tpu.core_type = #tpu.core_type<sc_vector_subcore>, window_params = [{transform_indices = #map}, {transform_indices = #map1}, {transform_indices = #map}, {transform_indices = #map}]} {
    %mul3A = arith.constant 16 : i32
    %mul3A_0 = arith.muli %arg0, %mul3A : i32
    %add3A = arith.addi %mul3A_0, %arg1 : i32
    %mul3A_1 = arith.constant 640 : i32
    %mul3A_2 = arith.muli %arg1, %mul3A_1 : i32
    "tpu.region"() ({
      %run_scoped3A = tpu.sem_alloc : memref<!tpu.dma_semaphore, #tpu.memory_space<semaphore_mem>>
      %dma_start3A_60 = arith.constant 0 : i32
      %dma_start3A_61 = tpu.memref_slice %arg10[%mul3A_2, %dma_start3A_60] : memref<10240x128xf32, #tpu.memory_space<vmem_shared>> -> memref<640x128xf32, #tpu.memory_space<vmem_shared>>
      tpu.enqueue_dma source(%arg4 : memref<640x128xf32, #tpu.memory_space<hbm>>) target(%dma_start3A_61 : memref<640x128xf32, #tpu.memory_space<vmem_shared>>) target_semaphore(%run_scoped3A : memref<!tpu.dma_semaphore, #tpu.memory_space<semaphore_mem>>)
      %dma_wait3A_62 = arith.constant 0 : i32
      %dma_wait3A_63 = tpu.memref_slice %arg10[%mul3A_2, %dma_wait3A_62] : memref<10240x128xf32, #tpu.memory_space<vmem_shared>> -> memref<640x128xf32, #tpu.memory_space<vmem_shared>>
      tpu.wait_dma2 semaphore(%run_scoped3A : memref<!tpu.dma_semaphore, #tpu.memory_space<semaphore_mem>>) src(%arg4 : memref<640x128xf32, #tpu.memory_space<hbm>>) dst(%dma_wait3A_63 : memref<640x128xf32, #tpu.memory_space<vmem_shared>>)
      tpu.yield
    }) : () -> ()
    %barrier3A = arith.constant 0 : index
    tpu.barrier barrier_id(%barrier3A)
    %dma_start3A = arith.constant 0 : i32
    %dma_start3A_3 = arith.constant 0 : i32
    %dma_start3A_4 = arith.constant 0 : i32
    %dma_start3A_5 = tpu.memref_slice %arg3[%add3A, %dma_start3A, %dma_start3A_3, %dma_start3A_4] : memref<32x80x2x128xi32, #tpu.memory_space<hbm>> -> memref<1x1x2x128xi32, #tpu.memory_space<hbm>>
    %dma_start3A_6 = tpu.memref_squeeze %dma_start3A_5 : memref<1x1x2x128xi32, #tpu.memory_space<hbm>> -> memref<2x128xi32, #tpu.memory_space<hbm>>
    %dma_start3A_7 = arith.constant 0 : i32
    %dma_start3A_8 = arith.constant 0 : i32
    %dma_start3A_9 = tpu.memref_slice %arg3[%add3A, %dma_start3A, %dma_start3A_7, %dma_start3A_8] : memref<32x80x2x128xi32, #tpu.memory_space<hbm>> -> memref<1x1x2x128xi32, #tpu.memory_space<hbm>>
    %dma_start3A_10 = tpu.memref_squeeze %dma_start3A_9 : memref<1x1x2x128xi32, #tpu.memory_space<hbm>> -> memref<2x128xi32, #tpu.memory_space<hbm>>
    tpu.enqueue_dma source(%dma_start3A_10 : memref<2x128xi32, #tpu.memory_space<hbm>>) target(%arg6 : memref<2x128xi32, #tpu.memory_space<vmem>>) target_semaphore(%arg13 : memref<!tpu.dma_semaphore, #tpu.memory_space<semaphore_mem>>)
    %dma_start3A_11 = arith.constant 1 : i32
    %dma_start3A_12 = arith.constant 0 : i32
    %dma_start3A_13 = arith.constant 0 : i32
    %dma_start3A_14 = tpu.memref_slice %arg3[%add3A, %dma_start3A_11, %dma_start3A_12, %dma_start3A_13] : memref<32x80x2x128xi32, #tpu.memory_space<hbm>> -> memref<1x1x2x128xi32, #tpu.memory_space<hbm>>
    %dma_start3A_15 = tpu.memref_squeeze %dma_start3A_14 : memref<1x1x2x128xi32, #tpu.memory_space<hbm>> -> memref<2x128xi32, #tpu.memory_space<hbm>>
    %dma_start3A_16 = arith.constant 0 : i32
    %dma_start3A_17 = arith.constant 0 : i32
    %dma_start3A_18 = tpu.memref_slice %arg3[%add3A, %dma_start3A_11, %dma_start3A_16, %dma_start3A_17] : memref<32x80x2x128xi32, #tpu.memory_space<hbm>> -> memref<1x1x2x128xi32, #tpu.memory_space<hbm>>
    %dma_start3A_19 = tpu.memref_squeeze %dma_start3A_18 : memref<1x1x2x128xi32, #tpu.memory_space<hbm>> -> memref<2x128xi32, #tpu.memory_space<hbm>>
    tpu.enqueue_dma source(%dma_start3A_19 : memref<2x128xi32, #tpu.memory_space<hbm>>) target(%arg7 : memref<2x128xi32, #tpu.memory_space<vmem>>) target_semaphore(%arg14 : memref<!tpu.dma_semaphore, #tpu.memory_space<semaphore_mem>>)
    %dma_wait3A = arith.constant 0 : i32
    %dma_wait3A_20 = arith.constant 0 : i32
    %dma_wait3A_21 = arith.constant 0 : i32
    %dma_wait3A_22 = tpu.memref_slice %arg3[%add3A, %dma_wait3A, %dma_wait3A_20, %dma_wait3A_21] : memref<32x80x2x128xi32, #tpu.memory_space<hbm>> -> memref<1x1x2x128xi32, #tpu.memory_space<hbm>>
    %dma_wait3A_23 = tpu.memref_squeeze %dma_wait3A_22 : memref<1x1x2x128xi32, #tpu.memory_space<hbm>> -> memref<2x128xi32, #tpu.memory_space<hbm>>
    %dma_wait3A_24 = arith.constant 0 : i32
    %dma_wait3A_25 = arith.constant 0 : i32
    %dma_wait3A_26 = tpu.memref_slice %arg3[%add3A, %dma_wait3A, %dma_wait3A_24, %dma_wait3A_25] : memref<32x80x2x128xi32, #tpu.memory_space<hbm>> -> memref<1x1x2x128xi32, #tpu.memory_space<hbm>>
    %dma_wait3A_27 = tpu.memref_squeeze %dma_wait3A_26 : memref<1x1x2x128xi32, #tpu.memory_space<hbm>> -> memref<2x128xi32, #tpu.memory_space<hbm>>
    tpu.wait_dma2 semaphore(%arg13 : memref<!tpu.dma_semaphore, #tpu.memory_space<semaphore_mem>>) src(%dma_wait3A_27 : memref<2x128xi32, #tpu.memory_space<hbm>>) dst(%arg6 : memref<2x128xi32, #tpu.memory_space<vmem>>)
    %dma_start3A_28 = arith.constant 0 : i32
    %dma_start3A_29 = arith.constant 0 : i32
    %dma_start3A_30 = tpu.memref_slice %arg6[%dma_start3A_28, %dma_start3A_29] : memref<2x128xi32, #tpu.memory_space<vmem>> -> memref<1x128xi32, #tpu.memory_space<vmem>>
    %dma_start3A_31 = tpu.memref_squeeze %dma_start3A_30 : memref<1x128xi32, #tpu.memory_space<vmem>> -> memref<128xi32, #tpu.memory_space<vmem>>
    %dma_start3A_32 = arith.constant 0 : i32
    %dma_start3A_33 = arith.constant 0 : i32
    %dma_start3A_34 = tpu.memref_slice %arg2[%dma_start3A_32, %dma_start3A_33] : memref<10240x128xf32, #tpu.memory_space<hbm>> -> memref<10240x128xf32, #tpu.memory_space<hbm>>
    tpu.enqueue_indirect_dma source(%dma_start3A_34 : memref<10240x128xf32, #tpu.memory_space<hbm>>) target(%arg8 : memref<128x128xf32, #tpu.memory_space<vmem>>) offsets(%dma_start3A_31 : memref<128xi32, #tpu.memory_space<vmem>>) semaphore(%arg11 : memref<!tpu.dma_semaphore, #tpu.memory_space<semaphore_mem>>)
    %scan3A = arith.constant 0 : i32
    %scan3A_35 = arith.constant 0 : i32
    %scan3A_36 = arith.constant 40 : i32
    %scan3A_37 = arith.addi %scan3A_35, %scan3A_36 : i32
    %scan3A_38 = arith.constant 1 : i32
    scf.for %scan3A_60 = %scan3A_35 to %scan3A_37 step %scan3A_38  : i32 {
      %mul3A_61 = arith.constant 2 : i32
      %mul3A_62 = arith.muli %mul3A_61, %scan3A_60 : i32
      %add3A_63 = arith.constant 0 : i32
      %add3A_64 = arith.addi %mul3A_62, %add3A_63 : i32
      %dma_wait3A_65 = arith.constant 0 : i32
      %dma_wait3A_66 = arith.constant 0 : i32
      %dma_wait3A_67 = tpu.memref_slice %arg6[%dma_wait3A_65, %dma_wait3A_66] : memref<2x128xi32, #tpu.memory_space<vmem>> -> memref<1x128xi32, #tpu.memory_space<vmem>>
      %dma_wait3A_68 = tpu.memref_squeeze %dma_wait3A_67 : memref<1x128xi32, #tpu.memory_space<vmem>> -> memref<128xi32, #tpu.memory_space<vmem>>
      %dma_wait3A_69 = arith.constant 0 : i32
      %dma_wait3A_70 = arith.constant 0 : i32
      %dma_wait3A_71 = tpu.memref_slice %arg2[%dma_wait3A_69, %dma_wait3A_70] : memref<10240x128xf32, #tpu.memory_space<hbm>> -> memref<10240x128xf32, #tpu.memory_space<hbm>>
      tpu.wait_indirect_dma semaphore(%arg11 : memref<!tpu.dma_semaphore, #tpu.memory_space<semaphore_mem>>) src(%dma_wait3A_71 : memref<10240x128xf32, #tpu.memory_space<hbm>>) dst(%arg8 : memref<128x128xf32, #tpu.memory_space<vmem>>)
      %add3A_72 = arith.constant 1 : i32
      %add3A_73 = arith.addi %add3A_64, %add3A_72 : i32
      %min3A = arith.constant 79 : i32
      %min3A_74 = arith.minsi %add3A_73, %min3A : i32
      %dma_wait3A_75 = arith.constant 0 : i32
      %dma_wait3A_76 = arith.constant 0 : i32
      %dma_wait3A_77 = tpu.memref_slice %arg3[%add3A, %min3A_74, %dma_wait3A_75, %dma_wait3A_76] : memref<32x80x2x128xi32, #tpu.memory_space<hbm>> -> memref<1x1x2x128xi32, #tpu.memory_space<hbm>>
      %dma_wait3A_78 = tpu.memref_squeeze %dma_wait3A_77 : memref<1x1x2x128xi32, #tpu.memory_space<hbm>> -> memref<2x128xi32, #tpu.memory_space<hbm>>
      %dma_wait3A_79 = arith.constant 0 : i32
      %dma_wait3A_80 = arith.constant 0 : i32
      %dma_wait3A_81 = tpu.memref_slice %arg3[%add3A, %min3A_74, %dma_wait3A_79, %dma_wait3A_80] : memref<32x80x2x128xi32, #tpu.memory_space<hbm>> -> memref<1x1x2x128xi32, #tpu.memory_space<hbm>>
      %dma_wait3A_82 = tpu.memref_squeeze %dma_wait3A_81 : memref<1x1x2x128xi32, #tpu.memory_space<hbm>> -> memref<2x128xi32, #tpu.memory_space<hbm>>
      tpu.wait_dma2 semaphore(%arg14 : memref<!tpu.dma_semaphore, #tpu.memory_space<semaphore_mem>>) src(%dma_wait3A_82 : memref<2x128xi32, #tpu.memory_space<hbm>>) dst(%arg7 : memref<2x128xi32, #tpu.memory_space<vmem>>)
      %dma_start3A_83 = arith.constant 0 : i32
      %dma_start3A_84 = arith.constant 0 : i32
      %dma_start3A_85 = tpu.memref_slice %arg7[%dma_start3A_83, %dma_start3A_84] : memref<2x128xi32, #tpu.memory_space<vmem>> -> memref<1x128xi32, #tpu.memory_space<vmem>>
      %dma_start3A_86 = tpu.memref_squeeze %dma_start3A_85 : memref<1x128xi32, #tpu.memory_space<vmem>> -> memref<128xi32, #tpu.memory_space<vmem>>
      %dma_start3A_87 = arith.constant 0 : i32
      %dma_start3A_88 = arith.constant 0 : i32
      %dma_start3A_89 = tpu.memref_slice %arg2[%dma_start3A_87, %dma_start3A_88] : memref<10240x128xf32, #tpu.memory_space<hbm>> -> memref<10240x128xf32, #tpu.memory_space<hbm>>
      tpu.enqueue_indirect_dma source(%dma_start3A_89 : memref<10240x128xf32, #tpu.memory_space<hbm>>) target(%arg9 : memref<128x128xf32, #tpu.memory_space<vmem>>) offsets(%dma_start3A_86 : memref<128xi32, #tpu.memory_space<vmem>>) semaphore(%arg12 : memref<!tpu.dma_semaphore, #tpu.memory_space<semaphore_mem>>)
      %run_scoped3A = arith.constant 1 : i32
      "tpu.region"() ({
        %run_scoped3A_145 = tpu.sem_alloc : memref<!tpu.dma_semaphore, #tpu.memory_space<semaphore_mem>>
        %dma_start3A_146 = arith.constant 0 : i32
        %dma_start3A_147 = tpu.memref_slice %arg6[%run_scoped3A, %dma_start3A_146] : memref<2x128xi32, #tpu.memory_space<vmem>> -> memref<1x128xi32, #tpu.memory_space<vmem>>
        %dma_start3A_148 = tpu.memref_squeeze %dma_start3A_147 : memref<1x128xi32, #tpu.memory_space<vmem>> -> memref<128xi32, #tpu.memory_space<vmem>>
        %dma_start3A_149 = arith.constant 0 : i32
        %dma_start3A_150 = arith.constant 0 : i32
        %dma_start3A_151 = tpu.memref_slice %arg10[%dma_start3A_149, %dma_start3A_150] : memref<10240x128xf32, #tpu.memory_space<vmem_shared>> -> memref<10240x128xf32, #tpu.memory_space<vmem_shared>>
        tpu.enqueue_indirect_dma source(%arg8 : memref<128x128xf32, #tpu.memory_space<vmem>>) target(%dma_start3A_151 : memref<10240x128xf32, #tpu.memory_space<vmem_shared>>) offsets(%dma_start3A_148 : memref<128xi32, #tpu.memory_space<vmem>>) semaphore(%run_scoped3A_145 : memref<!tpu.dma_semaphore, #tpu.memory_space<semaphore_mem>>) {add = true}
        %dma_wait3A_152 = arith.constant 0 : i32
        %dma_wait3A_153 = tpu.memref_slice %arg6[%run_scoped3A, %dma_wait3A_152] : memref<2x128xi32, #tpu.memory_space<vmem>> -> memref<1x128xi32, #tpu.memory_space<vmem>>
        %dma_wait3A_154 = tpu.memref_squeeze %dma_wait3A_153 : memref<1x128xi32, #tpu.memory_space<vmem>> -> memref<128xi32, #tpu.memory_space<vmem>>
        %dma_wait3A_155 = arith.constant 0 : i32
        %dma_wait3A_156 = arith.constant 0 : i32
        %dma_wait3A_157 = tpu.memref_slice %arg10[%dma_wait3A_155, %dma_wait3A_156] : memref<10240x128xf32, #tpu.memory_space<vmem_shared>> -> memref<10240x128xf32, #tpu.memory_space<vmem_shared>>
        tpu.wait_indirect_dma semaphore(%run_scoped3A_145 : memref<!tpu.dma_semaphore, #tpu.memory_space<semaphore_mem>>) src(%arg8 : memref<128x128xf32, #tpu.memory_space<vmem>>) dst(%dma_wait3A_157 : memref<10240x128xf32, #tpu.memory_space<vmem_shared>>)
        tpu.yield
      }) : () -> ()
      %add3A_90 = arith.constant 2 : i32
      %add3A_91 = arith.addi %add3A_64, %add3A_90 : i32
      %min3A_92 = arith.constant 79 : i32
      %min3A_93 = arith.minsi %add3A_91, %min3A_92 : i32
      %dma_start3A_94 = arith.constant 0 : i32
      %dma_start3A_95 = arith.constant 0 : i32
      %dma_start3A_96 = tpu.memref_slice %arg3[%add3A, %min3A_93, %dma_start3A_94, %dma_start3A_95] : memref<32x80x2x128xi32, #tpu.memory_space<hbm>> -> memref<1x1x2x128xi32, #tpu.memory_space<hbm>>
      %dma_start3A_97 = tpu.memref_squeeze %dma_start3A_96 : memref<1x1x2x128xi32, #tpu.memory_space<hbm>> -> memref<2x128xi32, #tpu.memory_space<hbm>>
      %dma_start3A_98 = arith.constant 0 : i32
      %dma_start3A_99 = arith.constant 0 : i32
      %dma_start3A_100 = tpu.memref_slice %arg3[%add3A, %min3A_93, %dma_start3A_98, %dma_start3A_99] : memref<32x80x2x128xi32, #tpu.memory_space<hbm>> -> memref<1x1x2x128xi32, #tpu.memory_space<hbm>>
      %dma_start3A_101 = tpu.memref_squeeze %dma_start3A_100 : memref<1x1x2x128xi32, #tpu.memory_space<hbm>> -> memref<2x128xi32, #tpu.memory_space<hbm>>
      tpu.enqueue_dma source(%dma_start3A_101 : memref<2x128xi32, #tpu.memory_space<hbm>>) target(%arg6 : memref<2x128xi32, #tpu.memory_space<vmem>>) target_semaphore(%arg13 : memref<!tpu.dma_semaphore, #tpu.memory_space<semaphore_mem>>)
      %mul3A_102 = arith.constant 2 : i32
      %mul3A_103 = arith.muli %mul3A_102, %scan3A_60 : i32
      %add3A_104 = arith.constant 1 : i32
      %add3A_105 = arith.addi %mul3A_103, %add3A_104 : i32
      %dma_wait3A_106 = arith.constant 0 : i32
      %dma_wait3A_107 = arith.constant 0 : i32
      %dma_wait3A_108 = tpu.memref_slice %arg7[%dma_wait3A_106, %dma_wait3A_107] : memref<2x128xi32, #tpu.memory_space<vmem>> -> memref<1x128xi32, #tpu.memory_space<vmem>>
      %dma_wait3A_109 = tpu.memref_squeeze %dma_wait3A_108 : memref<1x128xi32, #tpu.memory_space<vmem>> -> memref<128xi32, #tpu.memory_space<vmem>>
      %dma_wait3A_110 = arith.constant 0 : i32
      %dma_wait3A_111 = arith.constant 0 : i32
      %dma_wait3A_112 = tpu.memref_slice %arg2[%dma_wait3A_110, %dma_wait3A_111] : memref<10240x128xf32, #tpu.memory_space<hbm>> -> memref<10240x128xf32, #tpu.memory_space<hbm>>
      tpu.wait_indirect_dma semaphore(%arg12 : memref<!tpu.dma_semaphore, #tpu.memory_space<semaphore_mem>>) src(%dma_wait3A_112 : memref<10240x128xf32, #tpu.memory_space<hbm>>) dst(%arg9 : memref<128x128xf32, #tpu.memory_space<vmem>>)
      %add3A_113 = arith.constant 1 : i32
      %add3A_114 = arith.addi %add3A_105, %add3A_113 : i32
      %min3A_115 = arith.constant 79 : i32
      %min3A_116 = arith.minsi %add3A_114, %min3A_115 : i32
      %dma_wait3A_117 = arith.constant 0 : i32
      %dma_wait3A_118 = arith.constant 0 : i32
      %dma_wait3A_119 = tpu.memref_slice %arg3[%add3A, %min3A_116, %dma_wait3A_117, %dma_wait3A_118] : memref<32x80x2x128xi32, #tpu.memory_space<hbm>> -> memref<1x1x2x128xi32, #tpu.memory_space<hbm>>
      %dma_wait3A_120 = tpu.memref_squeeze %dma_wait3A_119 : memref<1x1x2x128xi32, #tpu.memory_space<hbm>> -> memref<2x128xi32, #tpu.memory_space<hbm>>
      %dma_wait3A_121 = arith.constant 0 : i32
      %dma_wait3A_122 = arith.constant 0 : i32
      %dma_wait3A_123 = tpu.memref_slice %arg3[%add3A, %min3A_116, %dma_wait3A_121, %dma_wait3A_122] : memref<32x80x2x128xi32, #tpu.memory_space<hbm>> -> memref<1x1x2x128xi32, #tpu.memory_space<hbm>>
      %dma_wait3A_124 = tpu.memref_squeeze %dma_wait3A_123 : memref<1x1x2x128xi32, #tpu.memory_space<hbm>> -> memref<2x128xi32, #tpu.memory_space<hbm>>
      tpu.wait_dma2 semaphore(%arg13 : memref<!tpu.dma_semaphore, #tpu.memory_space<semaphore_mem>>) src(%dma_wait3A_124 : memref<2x128xi32, #tpu.memory_space<hbm>>) dst(%arg6 : memref<2x128xi32, #tpu.memory_space<vmem>>)
      %dma_start3A_125 = arith.constant 0 : i32
      %dma_start3A_126 = arith.constant 0 : i32
      %dma_start3A_127 = tpu.memref_slice %arg6[%dma_start3A_125, %dma_start3A_126] : memref<2x128xi32, #tpu.memory_space<vmem>> -> memref<1x128xi32, #tpu.memory_space<vmem>>
      %dma_start3A_128 = tpu.memref_squeeze %dma_start3A_127 : memref<1x128xi32, #tpu.memory_space<vmem>> -> memref<128xi32, #tpu.memory_space<vmem>>
      %dma_start3A_129 = arith.constant 0 : i32
      %dma_start3A_130 = arith.constant 0 : i32
      %dma_start3A_131 = tpu.memref_slice %arg2[%dma_start3A_129, %dma_start3A_130] : memref<10240x128xf32, #tpu.memory_space<hbm>> -> memref<10240x128xf32, #tpu.memory_space<hbm>>
      tpu.enqueue_indirect_dma source(%dma_start3A_131 : memref<10240x128xf32, #tpu.memory_space<hbm>>) target(%arg8 : memref<128x128xf32, #tpu.memory_space<vmem>>) offsets(%dma_start3A_128 : memref<128xi32, #tpu.memory_space<vmem>>) semaphore(%arg11 : memref<!tpu.dma_semaphore, #tpu.memory_space<semaphore_mem>>)
      %run_scoped3A_132 = arith.constant 1 : i32
      "tpu.region"() ({
        %run_scoped3A_145 = tpu.sem_alloc : memref<!tpu.dma_semaphore, #tpu.memory_space<semaphore_mem>>
        %dma_start3A_146 = arith.constant 0 : i32
        %dma_start3A_147 = tpu.memref_slice %arg7[%run_scoped3A_132, %dma_start3A_146] : memref<2x128xi32, #tpu.memory_space<vmem>> -> memref<1x128xi32, #tpu.memory_space<vmem>>
        %dma_start3A_148 = tpu.memref_squeeze %dma_start3A_147 : memref<1x128xi32, #tpu.memory_space<vmem>> -> memref<128xi32, #tpu.memory_space<vmem>>
        %dma_start3A_149 = arith.constant 0 : i32
        %dma_start3A_150 = arith.constant 0 : i32
        %dma_start3A_151 = tpu.memref_slice %arg10[%dma_start3A_149, %dma_start3A_150] : memref<10240x128xf32, #tpu.memory_space<vmem_shared>> -> memref<10240x128xf32, #tpu.memory_space<vmem_shared>>
        tpu.enqueue_indirect_dma source(%arg9 : memref<128x128xf32, #tpu.memory_space<vmem>>) target(%dma_start3A_151 : memref<10240x128xf32, #tpu.memory_space<vmem_shared>>) offsets(%dma_start3A_148 : memref<128xi32, #tpu.memory_space<vmem>>) semaphore(%run_scoped3A_145 : memref<!tpu.dma_semaphore, #tpu.memory_space<semaphore_mem>>) {add = true}
        %dma_wait3A_152 = arith.constant 0 : i32
        %dma_wait3A_153 = tpu.memref_slice %arg7[%run_scoped3A_132, %dma_wait3A_152] : memref<2x128xi32, #tpu.memory_space<vmem>> -> memref<1x128xi32, #tpu.memory_space<vmem>>
        %dma_wait3A_154 = tpu.memref_squeeze %dma_wait3A_153 : memref<1x128xi32, #tpu.memory_space<vmem>> -> memref<128xi32, #tpu.memory_space<vmem>>
        %dma_wait3A_155 = arith.constant 0 : i32
        %dma_wait3A_156 = arith.constant 0 : i32
        %dma_wait3A_157 = tpu.memref_slice %arg10[%dma_wait3A_155, %dma_wait3A_156] : memref<10240x128xf32, #tpu.memory_space<vmem_shared>> -> memref<10240x128xf32, #tpu.memory_space<vmem_shared>>
        tpu.wait_indirect_dma semaphore(%run_scoped3A_145 : memref<!tpu.dma_semaphore, #tpu.memory_space<semaphore_mem>>) src(%arg9 : memref<128x128xf32, #tpu.memory_space<vmem>>) dst(%dma_wait3A_157 : memref<10240x128xf32, #tpu.memory_space<vmem_shared>>)
        tpu.yield
      }) : () -> ()
      %add3A_133 = arith.constant 2 : i32
      %add3A_134 = arith.addi %add3A_105, %add3A_133 : i32
      %min3A_135 = arith.constant 79 : i32
      %min3A_136 = arith.minsi %add3A_134, %min3A_135 : i32
      %dma_start3A_137 = arith.constant 0 : i32
      %dma_start3A_138 = arith.constant 0 : i32
      %dma_start3A_139 = tpu.memref_slice %arg3[%add3A, %min3A_136, %dma_start3A_137, %dma_start3A_138] : memref<32x80x2x128xi32, #tpu.memory_space<hbm>> -> memref<1x1x2x128xi32, #tpu.memory_space<hbm>>
      %dma_start3A_140 = tpu.memref_squeeze %dma_start3A_139 : memref<1x1x2x128xi32, #tpu.memory_space<hbm>> -> memref<2x128xi32, #tpu.memory_space<hbm>>
      %dma_start3A_141 = arith.constant 0 : i32
      %dma_start3A_142 = arith.constant 0 : i32
      %dma_start3A_143 = tpu.memref_slice %arg3[%add3A, %min3A_136, %dma_start3A_141, %dma_start3A_142] : memref<32x80x2x128xi32, #tpu.memory_space<hbm>> -> memref<1x1x2x128xi32, #tpu.memory_space<hbm>>
      %dma_start3A_144 = tpu.memref_squeeze %dma_start3A_143 : memref<1x1x2x128xi32, #tpu.memory_space<hbm>> -> memref<2x128xi32, #tpu.memory_space<hbm>>
      tpu.enqueue_dma source(%dma_start3A_144 : memref<2x128xi32, #tpu.memory_space<hbm>>) target(%arg7 : memref<2x128xi32, #tpu.memory_space<vmem>>) target_semaphore(%arg14 : memref<!tpu.dma_semaphore, #tpu.memory_space<semaphore_mem>>)
    }
    %scan3A_39 = arith.constant 40 : i32
    %dma_wait3A_40 = arith.constant 0 : i32
    %dma_wait3A_41 = arith.constant 0 : i32
    %dma_wait3A_42 = tpu.memref_slice %arg6[%dma_wait3A_40, %dma_wait3A_41] : memref<2x128xi32, #tpu.memory_space<vmem>> -> memref<1x128xi32, #tpu.memory_space<vmem>>
    %dma_wait3A_43 = tpu.memref_squeeze %dma_wait3A_42 : memref<1x128xi32, #tpu.memory_space<vmem>> -> memref<128xi32, #tpu.memory_space<vmem>>
    %dma_wait3A_44 = arith.constant 0 : i32
    %dma_wait3A_45 = arith.constant 0 : i32
    %dma_wait3A_46 = tpu.memref_slice %arg2[%dma_wait3A_44, %dma_wait3A_45] : memref<10240x128xf32, #tpu.memory_space<hbm>> -> memref<10240x128xf32, #tpu.memory_space<hbm>>
    tpu.wait_indirect_dma semaphore(%arg11 : memref<!tpu.dma_semaphore, #tpu.memory_space<semaphore_mem>>) src(%dma_wait3A_46 : memref<10240x128xf32, #tpu.memory_space<hbm>>) dst(%arg8 : memref<128x128xf32, #tpu.memory_space<vmem>>)
    %dma_wait3A_47 = arith.constant 79 : i32
    %dma_wait3A_48 = arith.constant 0 : i32
    %dma_wait3A_49 = arith.constant 0 : i32
    %dma_wait3A_50 = tpu.memref_slice %arg3[%add3A, %dma_wait3A_47, %dma_wait3A_48, %dma_wait3A_49] : memref<32x80x2x128xi32, #tpu.memory_space<hbm>> -> memref<1x1x2x128xi32, #tpu.memory_space<hbm>>
    %dma_wait3A_51 = tpu.memref_squeeze %dma_wait3A_50 : memref<1x1x2x128xi32, #tpu.memory_space<hbm>> -> memref<2x128xi32, #tpu.memory_space<hbm>>
    %dma_wait3A_52 = arith.constant 0 : i32
    %dma_wait3A_53 = arith.constant 0 : i32
    %dma_wait3A_54 = tpu.memref_slice %arg3[%add3A, %dma_wait3A_47, %dma_wait3A_52, %dma_wait3A_53] : memref<32x80x2x128xi32, #tpu.memory_space<hbm>> -> memref<1x1x2x128xi32, #tpu.memory_space<hbm>>
    %dma_wait3A_55 = tpu.memref_squeeze %dma_wait3A_54 : memref<1x1x2x128xi32, #tpu.memory_space<hbm>> -> memref<2x128xi32, #tpu.memory_space<hbm>>
    tpu.wait_dma2 semaphore(%arg14 : memref<!tpu.dma_semaphore, #tpu.memory_space<semaphore_mem>>) src(%dma_wait3A_55 : memref<2x128xi32, #tpu.memory_space<hbm>>) dst(%arg7 : memref<2x128xi32, #tpu.memory_space<vmem>>)
    %barrier3A_56 = arith.constant 0 : index
    tpu.barrier barrier_id(%barrier3A_56)
    %mul3A_57 = arith.constant 10240 : i32
    %mul3A_58 = arith.muli %arg0, %mul3A_57 : i32
    %add3A_59 = arith.addi %mul3A_58, %mul3A_2 : i32
    "tpu.region"() ({
      %run_scoped3A = tpu.sem_alloc : memref<!tpu.dma_semaphore, #tpu.memory_space<semaphore_mem>>
      %dma_start3A_60 = arith.constant 0 : i32
      %dma_start3A_61 = tpu.memref_slice %arg5[%add3A_59, %dma_start3A_60] : memref<20480x128xf32, #tpu.memory_space<hbm>> -> memref<640x128xf32, #tpu.memory_space<hbm>>
      %dma_start3A_62 = arith.constant 0 : i32
      %dma_start3A_63 = tpu.memref_slice %arg10[%mul3A_2, %dma_start3A_62] : memref<10240x128xf32, #tpu.memory_space<vmem_shared>> -> memref<640x128xf32, #tpu.memory_space<vmem_shared>>
      tpu.enqueue_dma source(%dma_start3A_63 : memref<640x128xf32, #tpu.memory_space<vmem_shared>>) target(%dma_start3A_61 : memref<640x128xf32, #tpu.memory_space<hbm>>) target_semaphore(%run_scoped3A : memref<!tpu.dma_semaphore, #tpu.memory_space<semaphore_mem>>)
      %dma_wait3A_64 = arith.constant 0 : i32
      %dma_wait3A_65 = tpu.memref_slice %arg5[%add3A_59, %dma_wait3A_64] : memref<20480x128xf32, #tpu.memory_space<hbm>> -> memref<640x128xf32, #tpu.memory_space<hbm>>
      %dma_wait3A_66 = arith.constant 0 : i32
      %dma_wait3A_67 = tpu.memref_slice %arg10[%mul3A_2, %dma_wait3A_66] : memref<10240x128xf32, #tpu.memory_space<vmem_shared>> -> memref<640x128xf32, #tpu.memory_space<vmem_shared>>
      tpu.wait_dma2 semaphore(%run_scoped3A : memref<!tpu.dma_semaphore, #tpu.memory_space<semaphore_mem>>) src(%dma_wait3A_67 : memref<640x128xf32, #tpu.memory_space<vmem_shared>>) dst(%dma_wait3A_65 : memref<640x128xf32, #tpu.memory_space<hbm>>)
      tpu.yield
    }) : () -> ()
    return
  }
}

#map = affine_map<(d0, d1) -> (0)>
#map1 = affine_map<(d0, d1) -> (0, 0, 0, 0)>
module attributes {stable_mosaic.version = 14 : i64} {
  func.func @agg(%arg0: i32, %arg1: i32, %arg2: memref<10240xf32, #tpu.memory_space<hbm>>, %arg3: memref<32x80x2x128xi32, #tpu.memory_space<hbm>>, %arg4: memref<640xf32, #tpu.memory_space<hbm>>, %arg5: memref<20480xf32, #tpu.memory_space<hbm>>, %arg6: memref<2x128xi32, #tpu.memory_space<vmem>>, %arg7: memref<2x128xi32, #tpu.memory_space<vmem>>, %arg8: memref<128xf32, #tpu.memory_space<vmem>>, %arg9: memref<128xf32, #tpu.memory_space<vmem>>, %arg10: memref<10240xf32, #tpu.memory_space<vmem_shared>>, %arg11: memref<!tpu.dma_semaphore, #tpu.memory_space<semaphore_mem>>, %arg12: memref<!tpu.dma_semaphore, #tpu.memory_space<semaphore_mem>>, %arg13: memref<!tpu.dma_semaphore, #tpu.memory_space<semaphore_mem>>, %arg14: memref<!tpu.dma_semaphore, #tpu.memory_space<semaphore_mem>>) attributes {dimension_semantics = [#tpu.dimension_semantics<core_parallel>, #tpu.dimension_semantics<subcore_parallel>], iteration_bounds = array<i64: 2, 16>, scalar_prefetch = 0 : i64, scratch_operands = 9 : i64, tpu.core_type = #tpu.core_type<sc_vector_subcore>, window_params = [{transform_indices = #map}, {transform_indices = #map1}, {transform_indices = #map}, {transform_indices = #map}]} {
    %mul3A = arith.constant 16 : i32
    %mul3A_0 = arith.muli %arg0, %mul3A : i32
    %add3A = arith.addi %mul3A_0, %arg1 : i32
    %mul3A_1 = arith.constant 640 : i32
    %mul3A_2 = arith.muli %arg1, %mul3A_1 : i32
    "tpu.region"() ({
      %run_scoped3A = tpu.sem_alloc : memref<!tpu.dma_semaphore, #tpu.memory_space<semaphore_mem>>
      %dma_start3A_58 = tpu.memref_slice %arg10[%mul3A_2] : memref<10240xf32, #tpu.memory_space<vmem_shared>> -> memref<640xf32, #tpu.memory_space<vmem_shared>>
      tpu.enqueue_dma source(%arg4 : memref<640xf32, #tpu.memory_space<hbm>>) target(%dma_start3A_58 : memref<640xf32, #tpu.memory_space<vmem_shared>>) target_semaphore(%run_scoped3A : memref<!tpu.dma_semaphore, #tpu.memory_space<semaphore_mem>>)
      %dma_wait3A_59 = tpu.memref_slice %arg10[%mul3A_2] : memref<10240xf32, #tpu.memory_space<vmem_shared>> -> memref<640xf32, #tpu.memory_space<vmem_shared>>
      tpu.wait_dma2 semaphore(%run_scoped3A : memref<!tpu.dma_semaphore, #tpu.memory_space<semaphore_mem>>) src(%arg4 : memref<640xf32, #tpu.memory_space<hbm>>) dst(%dma_wait3A_59 : memref<640xf32, #tpu.memory_space<vmem_shared>>)
      tpu.yield
    }) : () -> ()
    %barrier3A = arith.constant 0 : index
    tpu.barrier barrier_id(%barrier3A)
    %dma_start3A = arith.constant 0 : i32
    %dma_start3A_3 = arith.constant 0 : i32
    %dma_start3A_4 = arith.constant 0 : i32
    %dma_start3A_5 = tpu.memref_slice %arg3[%add3A, %dma_start3A, %dma_start3A_3, %dma_start3A_4] : memref<32x80x2x128xi32, #tpu.memory_space<hbm>> -> memref<1x1x2x128xi32, #tpu.memory_space<hbm>>
    %dma_start3A_6 = tpu.memref_squeeze %dma_start3A_5 : memref<1x1x2x128xi32, #tpu.memory_space<hbm>> -> memref<2x128xi32, #tpu.memory_space<hbm>>
    %dma_start3A_7 = arith.constant 0 : i32
    %dma_start3A_8 = arith.constant 0 : i32
    %dma_start3A_9 = tpu.memref_slice %arg3[%add3A, %dma_start3A, %dma_start3A_7, %dma_start3A_8] : memref<32x80x2x128xi32, #tpu.memory_space<hbm>> -> memref<1x1x2x128xi32, #tpu.memory_space<hbm>>
    %dma_start3A_10 = tpu.memref_squeeze %dma_start3A_9 : memref<1x1x2x128xi32, #tpu.memory_space<hbm>> -> memref<2x128xi32, #tpu.memory_space<hbm>>
    tpu.enqueue_dma source(%dma_start3A_10 : memref<2x128xi32, #tpu.memory_space<hbm>>) target(%arg6 : memref<2x128xi32, #tpu.memory_space<vmem>>) target_semaphore(%arg13 : memref<!tpu.dma_semaphore, #tpu.memory_space<semaphore_mem>>)
    %dma_start3A_11 = arith.constant 1 : i32
    %dma_start3A_12 = arith.constant 0 : i32
    %dma_start3A_13 = arith.constant 0 : i32
    %dma_start3A_14 = tpu.memref_slice %arg3[%add3A, %dma_start3A_11, %dma_start3A_12, %dma_start3A_13] : memref<32x80x2x128xi32, #tpu.memory_space<hbm>> -> memref<1x1x2x128xi32, #tpu.memory_space<hbm>>
    %dma_start3A_15 = tpu.memref_squeeze %dma_start3A_14 : memref<1x1x2x128xi32, #tpu.memory_space<hbm>> -> memref<2x128xi32, #tpu.memory_space<hbm>>
    %dma_start3A_16 = arith.constant 0 : i32
    %dma_start3A_17 = arith.constant 0 : i32
    %dma_start3A_18 = tpu.memref_slice %arg3[%add3A, %dma_start3A_11, %dma_start3A_16, %dma_start3A_17] : memref<32x80x2x128xi32, #tpu.memory_space<hbm>> -> memref<1x1x2x128xi32, #tpu.memory_space<hbm>>
    %dma_start3A_19 = tpu.memref_squeeze %dma_start3A_18 : memref<1x1x2x128xi32, #tpu.memory_space<hbm>> -> memref<2x128xi32, #tpu.memory_space<hbm>>
    tpu.enqueue_dma source(%dma_start3A_19 : memref<2x128xi32, #tpu.memory_space<hbm>>) target(%arg7 : memref<2x128xi32, #tpu.memory_space<vmem>>) target_semaphore(%arg14 : memref<!tpu.dma_semaphore, #tpu.memory_space<semaphore_mem>>)
    %dma_wait3A = arith.constant 0 : i32
    %dma_wait3A_20 = arith.constant 0 : i32
    %dma_wait3A_21 = arith.constant 0 : i32
    %dma_wait3A_22 = tpu.memref_slice %arg3[%add3A, %dma_wait3A, %dma_wait3A_20, %dma_wait3A_21] : memref<32x80x2x128xi32, #tpu.memory_space<hbm>> -> memref<1x1x2x128xi32, #tpu.memory_space<hbm>>
    %dma_wait3A_23 = tpu.memref_squeeze %dma_wait3A_22 : memref<1x1x2x128xi32, #tpu.memory_space<hbm>> -> memref<2x128xi32, #tpu.memory_space<hbm>>
    %dma_wait3A_24 = arith.constant 0 : i32
    %dma_wait3A_25 = arith.constant 0 : i32
    %dma_wait3A_26 = tpu.memref_slice %arg3[%add3A, %dma_wait3A, %dma_wait3A_24, %dma_wait3A_25] : memref<32x80x2x128xi32, #tpu.memory_space<hbm>> -> memref<1x1x2x128xi32, #tpu.memory_space<hbm>>
    %dma_wait3A_27 = tpu.memref_squeeze %dma_wait3A_26 : memref<1x1x2x128xi32, #tpu.memory_space<hbm>> -> memref<2x128xi32, #tpu.memory_space<hbm>>
    tpu.wait_dma2 semaphore(%arg13 : memref<!tpu.dma_semaphore, #tpu.memory_space<semaphore_mem>>) src(%dma_wait3A_27 : memref<2x128xi32, #tpu.memory_space<hbm>>) dst(%arg6 : memref<2x128xi32, #tpu.memory_space<vmem>>)
    %dma_start3A_28 = arith.constant 0 : i32
    %dma_start3A_29 = arith.constant 0 : i32
    %dma_start3A_30 = tpu.memref_slice %arg6[%dma_start3A_28, %dma_start3A_29] : memref<2x128xi32, #tpu.memory_space<vmem>> -> memref<1x128xi32, #tpu.memory_space<vmem>>
    %dma_start3A_31 = tpu.memref_squeeze %dma_start3A_30 : memref<1x128xi32, #tpu.memory_space<vmem>> -> memref<128xi32, #tpu.memory_space<vmem>>
    %dma_start3A_32 = arith.constant 0 : i32
    %dma_start3A_33 = tpu.memref_slice %arg2[%dma_start3A_32] : memref<10240xf32, #tpu.memory_space<hbm>> -> memref<10240xf32, #tpu.memory_space<hbm>>
    tpu.enqueue_indirect_dma source(%dma_start3A_33 : memref<10240xf32, #tpu.memory_space<hbm>>) target(%arg8 : memref<128xf32, #tpu.memory_space<vmem>>) offsets(%dma_start3A_31 : memref<128xi32, #tpu.memory_space<vmem>>) semaphore(%arg11 : memref<!tpu.dma_semaphore, #tpu.memory_space<semaphore_mem>>)
    %scan3A = arith.constant 0 : i32
    %scan3A_34 = arith.constant 0 : i32
    %scan3A_35 = arith.constant 40 : i32
    %scan3A_36 = arith.addi %scan3A_34, %scan3A_35 : i32
    %scan3A_37 = arith.constant 1 : i32
    scf.for %scan3A_58 = %scan3A_34 to %scan3A_36 step %scan3A_37  : i32 {
      %mul3A_59 = arith.constant 2 : i32
      %mul3A_60 = arith.muli %mul3A_59, %scan3A_58 : i32
      %add3A_61 = arith.constant 0 : i32
      %add3A_62 = arith.addi %mul3A_60, %add3A_61 : i32
      %dma_wait3A_63 = arith.constant 0 : i32
      %dma_wait3A_64 = arith.constant 0 : i32
      %dma_wait3A_65 = tpu.memref_slice %arg6[%dma_wait3A_63, %dma_wait3A_64] : memref<2x128xi32, #tpu.memory_space<vmem>> -> memref<1x128xi32, #tpu.memory_space<vmem>>
      %dma_wait3A_66 = tpu.memref_squeeze %dma_wait3A_65 : memref<1x128xi32, #tpu.memory_space<vmem>> -> memref<128xi32, #tpu.memory_space<vmem>>
      %dma_wait3A_67 = arith.constant 0 : i32
      %dma_wait3A_68 = tpu.memref_slice %arg2[%dma_wait3A_67] : memref<10240xf32, #tpu.memory_space<hbm>> -> memref<10240xf32, #tpu.memory_space<hbm>>
      tpu.wait_indirect_dma semaphore(%arg11 : memref<!tpu.dma_semaphore, #tpu.memory_space<semaphore_mem>>) src(%dma_wait3A_68 : memref<10240xf32, #tpu.memory_space<hbm>>) dst(%arg8 : memref<128xf32, #tpu.memory_space<vmem>>)
      %add3A_69 = arith.constant 1 : i32
      %add3A_70 = arith.addi %add3A_62, %add3A_69 : i32
      %min3A = arith.constant 79 : i32
      %min3A_71 = arith.minsi %add3A_70, %min3A : i32
      %dma_wait3A_72 = arith.constant 0 : i32
      %dma_wait3A_73 = arith.constant 0 : i32
      %dma_wait3A_74 = tpu.memref_slice %arg3[%add3A, %min3A_71, %dma_wait3A_72, %dma_wait3A_73] : memref<32x80x2x128xi32, #tpu.memory_space<hbm>> -> memref<1x1x2x128xi32, #tpu.memory_space<hbm>>
      %dma_wait3A_75 = tpu.memref_squeeze %dma_wait3A_74 : memref<1x1x2x128xi32, #tpu.memory_space<hbm>> -> memref<2x128xi32, #tpu.memory_space<hbm>>
      %dma_wait3A_76 = arith.constant 0 : i32
      %dma_wait3A_77 = arith.constant 0 : i32
      %dma_wait3A_78 = tpu.memref_slice %arg3[%add3A, %min3A_71, %dma_wait3A_76, %dma_wait3A_77] : memref<32x80x2x128xi32, #tpu.memory_space<hbm>> -> memref<1x1x2x128xi32, #tpu.memory_space<hbm>>
      %dma_wait3A_79 = tpu.memref_squeeze %dma_wait3A_78 : memref<1x1x2x128xi32, #tpu.memory_space<hbm>> -> memref<2x128xi32, #tpu.memory_space<hbm>>
      tpu.wait_dma2 semaphore(%arg14 : memref<!tpu.dma_semaphore, #tpu.memory_space<semaphore_mem>>) src(%dma_wait3A_79 : memref<2x128xi32, #tpu.memory_space<hbm>>) dst(%arg7 : memref<2x128xi32, #tpu.memory_space<vmem>>)
      %dma_start3A_80 = arith.constant 0 : i32
      %dma_start3A_81 = arith.constant 0 : i32
      %dma_start3A_82 = tpu.memref_slice %arg7[%dma_start3A_80, %dma_start3A_81] : memref<2x128xi32, #tpu.memory_space<vmem>> -> memref<1x128xi32, #tpu.memory_space<vmem>>
      %dma_start3A_83 = tpu.memref_squeeze %dma_start3A_82 : memref<1x128xi32, #tpu.memory_space<vmem>> -> memref<128xi32, #tpu.memory_space<vmem>>
      %dma_start3A_84 = arith.constant 0 : i32
      %dma_start3A_85 = tpu.memref_slice %arg2[%dma_start3A_84] : memref<10240xf32, #tpu.memory_space<hbm>> -> memref<10240xf32, #tpu.memory_space<hbm>>
      tpu.enqueue_indirect_dma source(%dma_start3A_85 : memref<10240xf32, #tpu.memory_space<hbm>>) target(%arg9 : memref<128xf32, #tpu.memory_space<vmem>>) offsets(%dma_start3A_83 : memref<128xi32, #tpu.memory_space<vmem>>) semaphore(%arg12 : memref<!tpu.dma_semaphore, #tpu.memory_space<semaphore_mem>>)
      %run_scoped3A = arith.constant 1 : i32
      "tpu.region"() ({
        %run_scoped3A_139 = tpu.sem_alloc : memref<!tpu.dma_semaphore, #tpu.memory_space<semaphore_mem>>
        %dma_start3A_140 = arith.constant 0 : i32
        %dma_start3A_141 = tpu.memref_slice %arg6[%run_scoped3A, %dma_start3A_140] : memref<2x128xi32, #tpu.memory_space<vmem>> -> memref<1x128xi32, #tpu.memory_space<vmem>>
        %dma_start3A_142 = tpu.memref_squeeze %dma_start3A_141 : memref<1x128xi32, #tpu.memory_space<vmem>> -> memref<128xi32, #tpu.memory_space<vmem>>
        %dma_start3A_143 = arith.constant 0 : i32
        %dma_start3A_144 = tpu.memref_slice %arg10[%dma_start3A_143] : memref<10240xf32, #tpu.memory_space<vmem_shared>> -> memref<10240xf32, #tpu.memory_space<vmem_shared>>
        tpu.enqueue_indirect_dma source(%arg8 : memref<128xf32, #tpu.memory_space<vmem>>) target(%dma_start3A_144 : memref<10240xf32, #tpu.memory_space<vmem_shared>>) offsets(%dma_start3A_142 : memref<128xi32, #tpu.memory_space<vmem>>) semaphore(%run_scoped3A_139 : memref<!tpu.dma_semaphore, #tpu.memory_space<semaphore_mem>>) {add = true}
        %dma_wait3A_145 = arith.constant 0 : i32
        %dma_wait3A_146 = tpu.memref_slice %arg6[%run_scoped3A, %dma_wait3A_145] : memref<2x128xi32, #tpu.memory_space<vmem>> -> memref<1x128xi32, #tpu.memory_space<vmem>>
        %dma_wait3A_147 = tpu.memref_squeeze %dma_wait3A_146 : memref<1x128xi32, #tpu.memory_space<vmem>> -> memref<128xi32, #tpu.memory_space<vmem>>
        %dma_wait3A_148 = arith.constant 0 : i32
        %dma_wait3A_149 = tpu.memref_slice %arg10[%dma_wait3A_148] : memref<10240xf32, #tpu.memory_space<vmem_shared>> -> memref<10240xf32, #tpu.memory_space<vmem_shared>>
        tpu.wait_indirect_dma semaphore(%run_scoped3A_139 : memref<!tpu.dma_semaphore, #tpu.memory_space<semaphore_mem>>) src(%arg8 : memref<128xf32, #tpu.memory_space<vmem>>) dst(%dma_wait3A_149 : memref<10240xf32, #tpu.memory_space<vmem_shared>>)
        tpu.yield
      }) : () -> ()
      %add3A_86 = arith.constant 2 : i32
      %add3A_87 = arith.addi %add3A_62, %add3A_86 : i32
      %min3A_88 = arith.constant 79 : i32
      %min3A_89 = arith.minsi %add3A_87, %min3A_88 : i32
      %dma_start3A_90 = arith.constant 0 : i32
      %dma_start3A_91 = arith.constant 0 : i32
      %dma_start3A_92 = tpu.memref_slice %arg3[%add3A, %min3A_89, %dma_start3A_90, %dma_start3A_91] : memref<32x80x2x128xi32, #tpu.memory_space<hbm>> -> memref<1x1x2x128xi32, #tpu.memory_space<hbm>>
      %dma_start3A_93 = tpu.memref_squeeze %dma_start3A_92 : memref<1x1x2x128xi32, #tpu.memory_space<hbm>> -> memref<2x128xi32, #tpu.memory_space<hbm>>
      %dma_start3A_94 = arith.constant 0 : i32
      %dma_start3A_95 = arith.constant 0 : i32
      %dma_start3A_96 = tpu.memref_slice %arg3[%add3A, %min3A_89, %dma_start3A_94, %dma_start3A_95] : memref<32x80x2x128xi32, #tpu.memory_space<hbm>> -> memref<1x1x2x128xi32, #tpu.memory_space<hbm>>
      %dma_start3A_97 = tpu.memref_squeeze %dma_start3A_96 : memref<1x1x2x128xi32, #tpu.memory_space<hbm>> -> memref<2x128xi32, #tpu.memory_space<hbm>>
      tpu.enqueue_dma source(%dma_start3A_97 : memref<2x128xi32, #tpu.memory_space<hbm>>) target(%arg6 : memref<2x128xi32, #tpu.memory_space<vmem>>) target_semaphore(%arg13 : memref<!tpu.dma_semaphore, #tpu.memory_space<semaphore_mem>>)
      %mul3A_98 = arith.constant 2 : i32
      %mul3A_99 = arith.muli %mul3A_98, %scan3A_58 : i32
      %add3A_100 = arith.constant 1 : i32
      %add3A_101 = arith.addi %mul3A_99, %add3A_100 : i32
      %dma_wait3A_102 = arith.constant 0 : i32
      %dma_wait3A_103 = arith.constant 0 : i32
      %dma_wait3A_104 = tpu.memref_slice %arg7[%dma_wait3A_102, %dma_wait3A_103] : memref<2x128xi32, #tpu.memory_space<vmem>> -> memref<1x128xi32, #tpu.memory_space<vmem>>
      %dma_wait3A_105 = tpu.memref_squeeze %dma_wait3A_104 : memref<1x128xi32, #tpu.memory_space<vmem>> -> memref<128xi32, #tpu.memory_space<vmem>>
      %dma_wait3A_106 = arith.constant 0 : i32
      %dma_wait3A_107 = tpu.memref_slice %arg2[%dma_wait3A_106] : memref<10240xf32, #tpu.memory_space<hbm>> -> memref<10240xf32, #tpu.memory_space<hbm>>
      tpu.wait_indirect_dma semaphore(%arg12 : memref<!tpu.dma_semaphore, #tpu.memory_space<semaphore_mem>>) src(%dma_wait3A_107 : memref<10240xf32, #tpu.memory_space<hbm>>) dst(%arg9 : memref<128xf32, #tpu.memory_space<vmem>>)
      %add3A_108 = arith.constant 1 : i32
      %add3A_109 = arith.addi %add3A_101, %add3A_108 : i32
      %min3A_110 = arith.constant 79 : i32
      %min3A_111 = arith.minsi %add3A_109, %min3A_110 : i32
      %dma_wait3A_112 = arith.constant 0 : i32
      %dma_wait3A_113 = arith.constant 0 : i32
      %dma_wait3A_114 = tpu.memref_slice %arg3[%add3A, %min3A_111, %dma_wait3A_112, %dma_wait3A_113] : memref<32x80x2x128xi32, #tpu.memory_space<hbm>> -> memref<1x1x2x128xi32, #tpu.memory_space<hbm>>
      %dma_wait3A_115 = tpu.memref_squeeze %dma_wait3A_114 : memref<1x1x2x128xi32, #tpu.memory_space<hbm>> -> memref<2x128xi32, #tpu.memory_space<hbm>>
      %dma_wait3A_116 = arith.constant 0 : i32
      %dma_wait3A_117 = arith.constant 0 : i32
      %dma_wait3A_118 = tpu.memref_slice %arg3[%add3A, %min3A_111, %dma_wait3A_116, %dma_wait3A_117] : memref<32x80x2x128xi32, #tpu.memory_space<hbm>> -> memref<1x1x2x128xi32, #tpu.memory_space<hbm>>
      %dma_wait3A_119 = tpu.memref_squeeze %dma_wait3A_118 : memref<1x1x2x128xi32, #tpu.memory_space<hbm>> -> memref<2x128xi32, #tpu.memory_space<hbm>>
      tpu.wait_dma2 semaphore(%arg13 : memref<!tpu.dma_semaphore, #tpu.memory_space<semaphore_mem>>) src(%dma_wait3A_119 : memref<2x128xi32, #tpu.memory_space<hbm>>) dst(%arg6 : memref<2x128xi32, #tpu.memory_space<vmem>>)
      %dma_start3A_120 = arith.constant 0 : i32
      %dma_start3A_121 = arith.constant 0 : i32
      %dma_start3A_122 = tpu.memref_slice %arg6[%dma_start3A_120, %dma_start3A_121] : memref<2x128xi32, #tpu.memory_space<vmem>> -> memref<1x128xi32, #tpu.memory_space<vmem>>
      %dma_start3A_123 = tpu.memref_squeeze %dma_start3A_122 : memref<1x128xi32, #tpu.memory_space<vmem>> -> memref<128xi32, #tpu.memory_space<vmem>>
      %dma_start3A_124 = arith.constant 0 : i32
      %dma_start3A_125 = tpu.memref_slice %arg2[%dma_start3A_124] : memref<10240xf32, #tpu.memory_space<hbm>> -> memref<10240xf32, #tpu.memory_space<hbm>>
      tpu.enqueue_indirect_dma source(%dma_start3A_125 : memref<10240xf32, #tpu.memory_space<hbm>>) target(%arg8 : memref<128xf32, #tpu.memory_space<vmem>>) offsets(%dma_start3A_123 : memref<128xi32, #tpu.memory_space<vmem>>) semaphore(%arg11 : memref<!tpu.dma_semaphore, #tpu.memory_space<semaphore_mem>>)
      %run_scoped3A_126 = arith.constant 1 : i32
      "tpu.region"() ({
        %run_scoped3A_139 = tpu.sem_alloc : memref<!tpu.dma_semaphore, #tpu.memory_space<semaphore_mem>>
        %dma_start3A_140 = arith.constant 0 : i32
        %dma_start3A_141 = tpu.memref_slice %arg7[%run_scoped3A_126, %dma_start3A_140] : memref<2x128xi32, #tpu.memory_space<vmem>> -> memref<1x128xi32, #tpu.memory_space<vmem>>
        %dma_start3A_142 = tpu.memref_squeeze %dma_start3A_141 : memref<1x128xi32, #tpu.memory_space<vmem>> -> memref<128xi32, #tpu.memory_space<vmem>>
        %dma_start3A_143 = arith.constant 0 : i32
        %dma_start3A_144 = tpu.memref_slice %arg10[%dma_start3A_143] : memref<10240xf32, #tpu.memory_space<vmem_shared>> -> memref<10240xf32, #tpu.memory_space<vmem_shared>>
        tpu.enqueue_indirect_dma source(%arg9 : memref<128xf32, #tpu.memory_space<vmem>>) target(%dma_start3A_144 : memref<10240xf32, #tpu.memory_space<vmem_shared>>) offsets(%dma_start3A_142 : memref<128xi32, #tpu.memory_space<vmem>>) semaphore(%run_scoped3A_139 : memref<!tpu.dma_semaphore, #tpu.memory_space<semaphore_mem>>) {add = true}
        %dma_wait3A_145 = arith.constant 0 : i32
        %dma_wait3A_146 = tpu.memref_slice %arg7[%run_scoped3A_126, %dma_wait3A_145] : memref<2x128xi32, #tpu.memory_space<vmem>> -> memref<1x128xi32, #tpu.memory_space<vmem>>
        %dma_wait3A_147 = tpu.memref_squeeze %dma_wait3A_146 : memref<1x128xi32, #tpu.memory_space<vmem>> -> memref<128xi32, #tpu.memory_space<vmem>>
        %dma_wait3A_148 = arith.constant 0 : i32
        %dma_wait3A_149 = tpu.memref_slice %arg10[%dma_wait3A_148] : memref<10240xf32, #tpu.memory_space<vmem_shared>> -> memref<10240xf32, #tpu.memory_space<vmem_shared>>
        tpu.wait_indirect_dma semaphore(%run_scoped3A_139 : memref<!tpu.dma_semaphore, #tpu.memory_space<semaphore_mem>>) src(%arg9 : memref<128xf32, #tpu.memory_space<vmem>>) dst(%dma_wait3A_149 : memref<10240xf32, #tpu.memory_space<vmem_shared>>)
        tpu.yield
      }) : () -> ()
      %add3A_127 = arith.constant 2 : i32
      %add3A_128 = arith.addi %add3A_101, %add3A_127 : i32
      %min3A_129 = arith.constant 79 : i32
      %min3A_130 = arith.minsi %add3A_128, %min3A_129 : i32
      %dma_start3A_131 = arith.constant 0 : i32
      %dma_start3A_132 = arith.constant 0 : i32
      %dma_start3A_133 = tpu.memref_slice %arg3[%add3A, %min3A_130, %dma_start3A_131, %dma_start3A_132] : memref<32x80x2x128xi32, #tpu.memory_space<hbm>> -> memref<1x1x2x128xi32, #tpu.memory_space<hbm>>
      %dma_start3A_134 = tpu.memref_squeeze %dma_start3A_133 : memref<1x1x2x128xi32, #tpu.memory_space<hbm>> -> memref<2x128xi32, #tpu.memory_space<hbm>>
      %dma_start3A_135 = arith.constant 0 : i32
      %dma_start3A_136 = arith.constant 0 : i32
      %dma_start3A_137 = tpu.memref_slice %arg3[%add3A, %min3A_130, %dma_start3A_135, %dma_start3A_136] : memref<32x80x2x128xi32, #tpu.memory_space<hbm>> -> memref<1x1x2x128xi32, #tpu.memory_space<hbm>>
      %dma_start3A_138 = tpu.memref_squeeze %dma_start3A_137 : memref<1x1x2x128xi32, #tpu.memory_space<hbm>> -> memref<2x128xi32, #tpu.memory_space<hbm>>
      tpu.enqueue_dma source(%dma_start3A_138 : memref<2x128xi32, #tpu.memory_space<hbm>>) target(%arg7 : memref<2x128xi32, #tpu.memory_space<vmem>>) target_semaphore(%arg14 : memref<!tpu.dma_semaphore, #tpu.memory_space<semaphore_mem>>)
    }
    %scan3A_38 = arith.constant 40 : i32
    %dma_wait3A_39 = arith.constant 0 : i32
    %dma_wait3A_40 = arith.constant 0 : i32
    %dma_wait3A_41 = tpu.memref_slice %arg6[%dma_wait3A_39, %dma_wait3A_40] : memref<2x128xi32, #tpu.memory_space<vmem>> -> memref<1x128xi32, #tpu.memory_space<vmem>>
    %dma_wait3A_42 = tpu.memref_squeeze %dma_wait3A_41 : memref<1x128xi32, #tpu.memory_space<vmem>> -> memref<128xi32, #tpu.memory_space<vmem>>
    %dma_wait3A_43 = arith.constant 0 : i32
    %dma_wait3A_44 = tpu.memref_slice %arg2[%dma_wait3A_43] : memref<10240xf32, #tpu.memory_space<hbm>> -> memref<10240xf32, #tpu.memory_space<hbm>>
    tpu.wait_indirect_dma semaphore(%arg11 : memref<!tpu.dma_semaphore, #tpu.memory_space<semaphore_mem>>) src(%dma_wait3A_44 : memref<10240xf32, #tpu.memory_space<hbm>>) dst(%arg8 : memref<128xf32, #tpu.memory_space<vmem>>)
    %dma_wait3A_45 = arith.constant 79 : i32
    %dma_wait3A_46 = arith.constant 0 : i32
    %dma_wait3A_47 = arith.constant 0 : i32
    %dma_wait3A_48 = tpu.memref_slice %arg3[%add3A, %dma_wait3A_45, %dma_wait3A_46, %dma_wait3A_47] : memref<32x80x2x128xi32, #tpu.memory_space<hbm>> -> memref<1x1x2x128xi32, #tpu.memory_space<hbm>>
    %dma_wait3A_49 = tpu.memref_squeeze %dma_wait3A_48 : memref<1x1x2x128xi32, #tpu.memory_space<hbm>> -> memref<2x128xi32, #tpu.memory_space<hbm>>
    %dma_wait3A_50 = arith.constant 0 : i32
    %dma_wait3A_51 = arith.constant 0 : i32
    %dma_wait3A_52 = tpu.memref_slice %arg3[%add3A, %dma_wait3A_45, %dma_wait3A_50, %dma_wait3A_51] : memref<32x80x2x128xi32, #tpu.memory_space<hbm>> -> memref<1x1x2x128xi32, #tpu.memory_space<hbm>>
    %dma_wait3A_53 = tpu.memref_squeeze %dma_wait3A_52 : memref<1x1x2x128xi32, #tpu.memory_space<hbm>> -> memref<2x128xi32, #tpu.memory_space<hbm>>
    tpu.wait_dma2 semaphore(%arg14 : memref<!tpu.dma_semaphore, #tpu.memory_space<semaphore_mem>>) src(%dma_wait3A_53 : memref<2x128xi32, #tpu.memory_space<hbm>>) dst(%arg7 : memref<2x128xi32, #tpu.memory_space<vmem>>)
    %barrier3A_54 = arith.constant 0 : index
    tpu.barrier barrier_id(%barrier3A_54)
    %mul3A_55 = arith.constant 10240 : i32
    %mul3A_56 = arith.muli %arg0, %mul3A_55 : i32
    %add3A_57 = arith.addi %mul3A_56, %mul3A_2 : i32
    "tpu.region"() ({
      %run_scoped3A = tpu.sem_alloc : memref<!tpu.dma_semaphore, #tpu.memory_space<semaphore_mem>>
      %dma_start3A_58 = tpu.memref_slice %arg5[%add3A_57] : memref<20480xf32, #tpu.memory_space<hbm>> -> memref<640xf32, #tpu.memory_space<hbm>>
      %dma_start3A_59 = tpu.memref_slice %arg10[%mul3A_2] : memref<10240xf32, #tpu.memory_space<vmem_shared>> -> memref<640xf32, #tpu.memory_space<vmem_shared>>
      tpu.enqueue_dma source(%dma_start3A_59 : memref<640xf32, #tpu.memory_space<vmem_shared>>) target(%dma_start3A_58 : memref<640xf32, #tpu.memory_space<hbm>>) target_semaphore(%run_scoped3A : memref<!tpu.dma_semaphore, #tpu.memory_space<semaphore_mem>>)
      %dma_wait3A_60 = tpu.memref_slice %arg5[%add3A_57] : memref<20480xf32, #tpu.memory_space<hbm>> -> memref<640xf32, #tpu.memory_space<hbm>>
      %dma_wait3A_61 = tpu.memref_slice %arg10[%mul3A_2] : memref<10240xf32, #tpu.memory_space<vmem_shared>> -> memref<640xf32, #tpu.memory_space<vmem_shared>>
      tpu.wait_dma2 semaphore(%run_scoped3A : memref<!tpu.dma_semaphore, #tpu.memory_space<semaphore_mem>>) src(%dma_wait3A_61 : memref<640xf32, #tpu.memory_space<vmem_shared>>) dst(%dma_wait3A_60 : memref<640xf32, #tpu.memory_space<hbm>>)
      tpu.yield
    }) : () -> ()
    return
  }
}

module attributes {stable_mosaic.version = 14 : i64} {
  func.func @_tc1_body(%arg0: i32, %arg1: memref<1024x128xf32, #tpu.memory_space<vmem>>, %arg2: memref<1024x128xf32, #tpu.memory_space<vmem>>, %arg3: memref<1024x128xf32, #tpu.memory_space<vmem>>, %arg4: memref<1024x1xf32, #tpu.memory_space<vmem>>, %arg5: memref<1024x1xf32, #tpu.memory_space<vmem>>, %arg6: memref<128x128xf32, #tpu.memory_space<vmem>>, %arg7: memref<128x128xf32, #tpu.memory_space<vmem>>, %arg8: memref<8x128xf32, #tpu.memory_space<vmem>>, %arg9: memref<1024x128xf32, #tpu.memory_space<vmem>>) attributes {dimension_semantics = [#tpu.dimension_semantics<arbitrary>], iteration_bounds = array<i64: 10>, scalar_prefetch = 0 : i64, scratch_operands = 0 : i64, tpu.core_type = #tpu.core_type<tc>, window_params = [{transform_indices = @transform_0, window_bounds = array<i64: 1024, 128>}, {transform_indices = @transform_1, window_bounds = array<i64: 1024, 128>}, {transform_indices = @transform_2, window_bounds = array<i64: 1024, 128>}, {transform_indices = @transform_3, window_bounds = array<i64: 1024, 1>}, {transform_indices = @transform_4, window_bounds = array<i64: 1024, 1>}, {pipeline_mode = #tpu.pipeline_mode<synchronous>, transform_indices = @transform_5, window_bounds = array<i64: 128, 128>}, {pipeline_mode = #tpu.pipeline_mode<synchronous>, transform_indices = @transform_6, window_bounds = array<i64: 128, 128>}, {pipeline_mode = #tpu.pipeline_mode<synchronous>, transform_indices = @transform_7, window_bounds = array<i64: 8, 128>}, {transform_indices = @transform_8, window_bounds = array<i64: 1024, 128>}]} {
    %get3A = arith.constant 0 : index
    %get3A_0 = arith.constant 0 : index
    %get3A_1 = vector.load %arg2[%get3A, %get3A_0] : memref<1024x128xf32, #tpu.memory_space<vmem>>, vector<1024x128xf32>
    %get3A_2 = arith.constant 0 : index
    %get3A_3 = arith.constant 0 : index
    %get3A_4 = vector.load %arg3[%get3A_2, %get3A_3] : memref<1024x128xf32, #tpu.memory_space<vmem>>, vector<1024x128xf32>
    %add3A = arith.addf %get3A_1, %get3A_4 : vector<1024x128xf32>
    %get3A_5 = arith.constant 0 : index
    %get3A_6 = arith.constant 0 : index
    %get3A_7 = vector.load %arg4[%get3A_5, %get3A_6] : memref<1024x1xf32, #tpu.memory_space<vmem>>, vector<1024x1xf32>
    %get3A_8 = arith.constant 0 : index
    %get3A_9 = arith.constant 0 : index
    %get3A_10 = vector.load %arg5[%get3A_8, %get3A_9] : memref<1024x1xf32, #tpu.memory_space<vmem>>, vector<1024x1xf32>
    %add3A_11 = arith.addf %get3A_7, %get3A_10 : vector<1024x1xf32>
    %max3A = arith.constant 1.000000e+00 : f32
    %max3A_12 = vector.broadcast %max3A : f32 to vector<1024x1xf32>
    %max3A_13 = arith.maximumf %add3A_11, %max3A_12 : vector<1024x1xf32>
    %div3A = arith.constant 1.000000e+00 : f32
    %div3A_14 = vector.broadcast %div3A : f32 to vector<1024x1xf32>
    %div3A_15 = arith.divf %div3A_14, %max3A_13 : vector<1024x1xf32>
    %mul3A = vector.broadcast %div3A_15 : vector<1024x1xf32> to vector<1024x128xf32>
    %mul3A_16 = arith.mulf %add3A, %mul3A : vector<1024x128xf32>
    %get3A_17 = arith.constant 0 : index
    %get3A_18 = arith.constant 0 : index
    %get3A_19 = vector.load %arg1[%get3A_17, %get3A_18] : memref<1024x128xf32, #tpu.memory_space<vmem>>, vector<1024x128xf32>
    %get3A_20 = arith.constant 0 : index
    %get3A_21 = arith.constant 0 : index
    %get3A_22 = vector.load %arg6[%get3A_20, %get3A_21] : memref<128x128xf32, #tpu.memory_space<vmem>>, vector<128x128xf32>
    %dot_general3A = arith.constant dense<0.000000e+00> : vector<1024x128xf32>
    %dot_general3A_23 = tpu.matmul %get3A_19, %get3A_22, %dot_general3A {dimension_numbers = #tpu.dot_dimension_numbers<[1], [0], [0], [1], [0, 0, 1, 1], [], []>, transpose_lhs_hint = false} : vector<1024x128xf32>, vector<128x128xf32>, vector<1024x128xf32> -> vector<1024x128xf32>
    %get3A_24 = arith.constant 0 : index
    %get3A_25 = arith.constant 0 : index
    %get3A_26 = vector.load %arg7[%get3A_24, %get3A_25] : memref<128x128xf32, #tpu.memory_space<vmem>>, vector<128x128xf32>
    %dot_general3A_27 = arith.constant dense<0.000000e+00> : vector<1024x128xf32>
    %dot_general3A_28 = tpu.matmul %mul3A_16, %get3A_26, %dot_general3A_27 {dimension_numbers = #tpu.dot_dimension_numbers<[1], [0], [0], [1], [0, 0, 1, 1], [], []>, transpose_lhs_hint = false} : vector<1024x128xf32>, vector<128x128xf32>, vector<1024x128xf32> -> vector<1024x128xf32>
    %add3A_29 = arith.addf %dot_general3A_23, %dot_general3A_28 : vector<1024x128xf32>
    %get3A_30 = arith.constant 0 : index
    %get3A_31 = arith.constant 0 : index
    %get3A_32 = vector.load %arg8[%get3A_30, %get3A_31] : memref<8x128xf32, #tpu.memory_space<vmem>>, vector<1x128xf32>
    %add3A_33 = vector.broadcast %get3A_32 : vector<1x128xf32> to vector<1024x128xf32>
    %add3A_34 = arith.addf %add3A_29, %add3A_33 : vector<1024x128xf32>
    %max3A_35 = arith.constant 0.000000e+00 : f32
    %max3A_36 = vector.broadcast %max3A_35 : f32 to vector<1024x128xf32>
    %max3A_37 = arith.maximumf %add3A_34, %max3A_36 : vector<1024x128xf32>
    %swap3A = arith.constant 0 : index
    %swap3A_38 = arith.constant 0 : index
    %swap3A_39 = vector.load %arg9[%swap3A, %swap3A_38] : memref<1024x128xf32, #tpu.memory_space<vmem>>, vector<1024x128xf32>
    tpu.vector_store %arg9[%swap3A, %swap3A_38], %max3A_37 {strides = array<i32>} : memref<1024x128xf32, #tpu.memory_space<vmem>>, vector<1024x128xf32>,
    return
  }
  func.func @transform_0(%arg0: i32) -> (i32, i32) {
    %c0_i32 = arith.constant 0 : i32
    %c0_i32_0 = arith.constant 0 : i32
    return %arg0, %c0_i32 : i32, i32
  }
  func.func @transform_1(%arg0: i32) -> (i32, i32) {
    %c0_i32 = arith.constant 0 : i32
    %c0_i32_0 = arith.constant 0 : i32
    return %arg0, %c0_i32 : i32, i32
  }
  func.func @transform_2(%arg0: i32) -> (i32, i32) {
    %c0_i32 = arith.constant 0 : i32
    %c0_i32_0 = arith.constant 0 : i32
    return %arg0, %c0_i32 : i32, i32
  }
  func.func @transform_3(%arg0: i32) -> (i32, i32) {
    %c0_i32 = arith.constant 0 : i32
    %c0_i32_0 = arith.constant 0 : i32
    return %arg0, %c0_i32 : i32, i32
  }
  func.func @transform_4(%arg0: i32) -> (i32, i32) {
    %c0_i32 = arith.constant 0 : i32
    %c0_i32_0 = arith.constant 0 : i32
    return %arg0, %c0_i32 : i32, i32
  }
  func.func @transform_5(%arg0: i32) -> (i32, i32) {
    %c0_i32 = arith.constant 0 : i32
    %c0_i32_0 = arith.constant 0 : i32
    %c0_i32_1 = arith.constant 0 : i32
    return %c0_i32, %c0_i32_0 : i32, i32
  }
  func.func @transform_6(%arg0: i32) -> (i32, i32) {
    %c0_i32 = arith.constant 0 : i32
    %c0_i32_0 = arith.constant 0 : i32
    %c0_i32_1 = arith.constant 0 : i32
    return %c0_i32, %c0_i32_0 : i32, i32
  }
  func.func @transform_7(%arg0: i32) -> (i32, i32) {
    %c0_i32 = arith.constant 0 : i32
    %c0_i32_0 = arith.constant 0 : i32
    %c0_i32_1 = arith.constant 0 : i32
    return %c0_i32, %c0_i32_0 : i32, i32
  }
  func.func @transform_8(%arg0: i32) -> (i32, i32) {
    %c0_i32 = arith.constant 0 : i32
    %c0_i32_0 = arith.constant 0 : i32
    return %arg0, %c0_i32 : i32, i32
  }
}

module attributes {stable_mosaic.version = 14 : i64} {
  func.func @_tc2_body(%arg0: i32, %arg1: memref<1024x128xf32, #tpu.memory_space<vmem>>, %arg2: memref<1024x128xf32, #tpu.memory_space<vmem>>, %arg3: memref<1024x128xf32, #tpu.memory_space<vmem>>, %arg4: memref<1024x1xf32, #tpu.memory_space<vmem>>, %arg5: memref<1024x1xf32, #tpu.memory_space<vmem>>, %arg6: memref<128x128xf32, #tpu.memory_space<vmem>>, %arg7: memref<128x128xf32, #tpu.memory_space<vmem>>, %arg8: memref<8x128xf32, #tpu.memory_space<vmem>>, %arg9: memref<128x8xf32, #tpu.memory_space<vmem>>, %arg10: memref<1024x128xf32, #tpu.memory_space<vmem>>, %arg11: memref<1024x8xf32, #tpu.memory_space<vmem>>) attributes {dimension_semantics = [#tpu.dimension_semantics<arbitrary>], iteration_bounds = array<i64: 10>, scalar_prefetch = 0 : i64, scratch_operands = 0 : i64, tpu.core_type = #tpu.core_type<tc>, window_params = [{transform_indices = @transform_0, window_bounds = array<i64: 1024, 128>}, {transform_indices = @transform_1, window_bounds = array<i64: 1024, 128>}, {transform_indices = @transform_2, window_bounds = array<i64: 1024, 128>}, {transform_indices = @transform_3, window_bounds = array<i64: 1024, 1>}, {transform_indices = @transform_4, window_bounds = array<i64: 1024, 1>}, {pipeline_mode = #tpu.pipeline_mode<synchronous>, transform_indices = @transform_5, window_bounds = array<i64: 128, 128>}, {pipeline_mode = #tpu.pipeline_mode<synchronous>, transform_indices = @transform_6, window_bounds = array<i64: 128, 128>}, {pipeline_mode = #tpu.pipeline_mode<synchronous>, transform_indices = @transform_7, window_bounds = array<i64: 8, 128>}, {pipeline_mode = #tpu.pipeline_mode<synchronous>, transform_indices = @transform_8, window_bounds = array<i64: 128, 8>}, {transform_indices = @transform_9, window_bounds = array<i64: 1024, 128>}, {transform_indices = @transform_10, window_bounds = array<i64: 1024, 8>}]} {
    %get3A = arith.constant 0 : index
    %get3A_0 = arith.constant 0 : index
    %get3A_1 = vector.load %arg2[%get3A, %get3A_0] : memref<1024x128xf32, #tpu.memory_space<vmem>>, vector<1024x128xf32>
    %get3A_2 = arith.constant 0 : index
    %get3A_3 = arith.constant 0 : index
    %get3A_4 = vector.load %arg3[%get3A_2, %get3A_3] : memref<1024x128xf32, #tpu.memory_space<vmem>>, vector<1024x128xf32>
    %add3A = arith.addf %get3A_1, %get3A_4 : vector<1024x128xf32>
    %get3A_5 = arith.constant 0 : index
    %get3A_6 = arith.constant 0 : index
    %get3A_7 = vector.load %arg4[%get3A_5, %get3A_6] : memref<1024x1xf32, #tpu.memory_space<vmem>>, vector<1024x1xf32>
    %get3A_8 = arith.constant 0 : index
    %get3A_9 = arith.constant 0 : index
    %get3A_10 = vector.load %arg5[%get3A_8, %get3A_9] : memref<1024x1xf32, #tpu.memory_space<vmem>>, vector<1024x1xf32>
    %add3A_11 = arith.addf %get3A_7, %get3A_10 : vector<1024x1xf32>
    %max3A = arith.constant 1.000000e+00 : f32
    %max3A_12 = vector.broadcast %max3A : f32 to vector<1024x1xf32>
    %max3A_13 = arith.maximumf %add3A_11, %max3A_12 : vector<1024x1xf32>
    %div3A = arith.constant 1.000000e+00 : f32
    %div3A_14 = vector.broadcast %div3A : f32 to vector<1024x1xf32>
    %div3A_15 = arith.divf %div3A_14, %max3A_13 : vector<1024x1xf32>
    %mul3A = vector.broadcast %div3A_15 : vector<1024x1xf32> to vector<1024x128xf32>
    %mul3A_16 = arith.mulf %add3A, %mul3A : vector<1024x128xf32>
    %get3A_17 = arith.constant 0 : index
    %get3A_18 = arith.constant 0 : index
    %get3A_19 = vector.load %arg1[%get3A_17, %get3A_18] : memref<1024x128xf32, #tpu.memory_space<vmem>>, vector<1024x128xf32>
    %get3A_20 = arith.constant 0 : index
    %get3A_21 = arith.constant 0 : index
    %get3A_22 = vector.load %arg6[%get3A_20, %get3A_21] : memref<128x128xf32, #tpu.memory_space<vmem>>, vector<128x128xf32>
    %dot_general3A = arith.constant dense<0.000000e+00> : vector<1024x128xf32>
    %dot_general3A_23 = tpu.matmul %get3A_19, %get3A_22, %dot_general3A {dimension_numbers = #tpu.dot_dimension_numbers<[1], [0], [0], [1], [0, 0, 1, 1], [], []>, transpose_lhs_hint = false} : vector<1024x128xf32>, vector<128x128xf32>, vector<1024x128xf32> -> vector<1024x128xf32>
    %get3A_24 = arith.constant 0 : index
    %get3A_25 = arith.constant 0 : index
    %get3A_26 = vector.load %arg7[%get3A_24, %get3A_25] : memref<128x128xf32, #tpu.memory_space<vmem>>, vector<128x128xf32>
    %dot_general3A_27 = arith.constant dense<0.000000e+00> : vector<1024x128xf32>
    %dot_general3A_28 = tpu.matmul %mul3A_16, %get3A_26, %dot_general3A_27 {dimension_numbers = #tpu.dot_dimension_numbers<[1], [0], [0], [1], [0, 0, 1, 1], [], []>, transpose_lhs_hint = false} : vector<1024x128xf32>, vector<128x128xf32>, vector<1024x128xf32> -> vector<1024x128xf32>
    %add3A_29 = arith.addf %dot_general3A_23, %dot_general3A_28 : vector<1024x128xf32>
    %get3A_30 = arith.constant 0 : index
    %get3A_31 = arith.constant 0 : index
    %get3A_32 = vector.load %arg8[%get3A_30, %get3A_31] : memref<8x128xf32, #tpu.memory_space<vmem>>, vector<1x128xf32>
    %add3A_33 = vector.broadcast %get3A_32 : vector<1x128xf32> to vector<1024x128xf32>
    %add3A_34 = arith.addf %add3A_29, %add3A_33 : vector<1024x128xf32>
    %max3A_35 = arith.constant 0.000000e+00 : f32
    %max3A_36 = vector.broadcast %max3A_35 : f32 to vector<1024x128xf32>
    %max3A_37 = arith.maximumf %add3A_34, %max3A_36 : vector<1024x128xf32>
    %swap3A = arith.constant 0 : index
    %swap3A_38 = arith.constant 0 : index
    %swap3A_39 = vector.load %arg10[%swap3A, %swap3A_38] : memref<1024x128xf32, #tpu.memory_space<vmem>>, vector<1024x128xf32>
    tpu.vector_store %arg10[%swap3A, %swap3A_38], %max3A_37 {strides = array<i32>} : memref<1024x128xf32, #tpu.memory_space<vmem>>, vector<1024x128xf32>,
    %get3A_40 = arith.constant 0 : index
    %get3A_41 = arith.constant 0 : index
    %get3A_42 = vector.load %arg9[%get3A_40, %get3A_41] : memref<128x8xf32, #tpu.memory_space<vmem>>, vector<128x8xf32>
    %dot_general3A_43 = arith.constant dense<0.000000e+00> : vector<1024x8xf32>
    %dot_general3A_44 = tpu.matmul %max3A_37, %get3A_42, %dot_general3A_43 {dimension_numbers = #tpu.dot_dimension_numbers<[1], [0], [0], [1], [0, 0, 1, 1], [], []>, transpose_lhs_hint = false} : vector<1024x128xf32>, vector<128x8xf32>, vector<1024x8xf32> -> vector<1024x8xf32>
    %swap3A_45 = arith.constant 0 : index
    %swap3A_46 = arith.constant 0 : index
    %swap3A_47 = vector.load %arg11[%swap3A_45, %swap3A_46] : memref<1024x8xf32, #tpu.memory_space<vmem>>, vector<1024x8xf32>
    tpu.vector_store %arg11[%swap3A_45, %swap3A_46], %dot_general3A_44 {strides = array<i32>} : memref<1024x8xf32, #tpu.memory_space<vmem>>, vector<1024x8xf32>,
    return
  }
  func.func @transform_0(%arg0: i32) -> (i32, i32) {
    %c0_i32 = arith.constant 0 : i32
    %c0_i32_0 = arith.constant 0 : i32
    return %arg0, %c0_i32 : i32, i32
  }
  func.func @transform_1(%arg0: i32) -> (i32, i32) {
    %c0_i32 = arith.constant 0 : i32
    %c0_i32_0 = arith.constant 0 : i32
    return %arg0, %c0_i32 : i32, i32
  }
  func.func @transform_2(%arg0: i32) -> (i32, i32) {
    %c0_i32 = arith.constant 0 : i32
    %c0_i32_0 = arith.constant 0 : i32
    return %arg0, %c0_i32 : i32, i32
  }
  func.func @transform_3(%arg0: i32) -> (i32, i32) {
    %c0_i32 = arith.constant 0 : i32
    %c0_i32_0 = arith.constant 0 : i32
    return %arg0, %c0_i32 : i32, i32
  }
  func.func @transform_4(%arg0: i32) -> (i32, i32) {
    %c0_i32 = arith.constant 0 : i32
    %c0_i32_0 = arith.constant 0 : i32
    return %arg0, %c0_i32 : i32, i32
  }
  func.func @transform_5(%arg0: i32) -> (i32, i32) {
    %c0_i32 = arith.constant 0 : i32
    %c0_i32_0 = arith.constant 0 : i32
    %c0_i32_1 = arith.constant 0 : i32
    return %c0_i32, %c0_i32_0 : i32, i32
  }
  func.func @transform_6(%arg0: i32) -> (i32, i32) {
    %c0_i32 = arith.constant 0 : i32
    %c0_i32_0 = arith.constant 0 : i32
    %c0_i32_1 = arith.constant 0 : i32
    return %c0_i32, %c0_i32_0 : i32, i32
  }
  func.func @transform_7(%arg0: i32) -> (i32, i32) {
    %c0_i32 = arith.constant 0 : i32
    %c0_i32_0 = arith.constant 0 : i32
    %c0_i32_1 = arith.constant 0 : i32
    return %c0_i32, %c0_i32_0 : i32, i32
  }
  func.func @transform_8(%arg0: i32) -> (i32, i32) {
    %c0_i32 = arith.constant 0 : i32
    %c0_i32_0 = arith.constant 0 : i32
    %c0_i32_1 = arith.constant 0 : i32
    return %c0_i32, %c0_i32_0 : i32, i32
  }
  func.func @transform_9(%arg0: i32) -> (i32, i32) {
    %c0_i32 = arith.constant 0 : i32
    %c0_i32_0 = arith.constant 0 : i32
    return %arg0, %c0_i32 : i32, i32
  }
  func.func @transform_10(%arg0: i32) -> (i32, i32) {
    %c0_i32 = arith.constant 0 : i32
    %c0_i32_0 = arith.constant 0 : i32
    return %arg0, %c0_i32 : i32, i32
  }
}

module attributes {stable_mosaic.version = 14 : i64} {
  func.func @_tc3_body(%arg0: i32, %arg1: memref<1024x128xf32, #tpu.memory_space<vmem>>, %arg2: memref<1024x1xf32, #tpu.memory_space<vmem>>, %arg3: memref<1024x1xf32, #tpu.memory_space<vmem>>, %arg4: memref<1024x1xf32, #tpu.memory_space<vmem>>, %arg5: memref<1024x1xf32, #tpu.memory_space<vmem>>, %arg6: memref<128x8xf32, #tpu.memory_space<vmem>>, %arg7: memref<8x8xf32, #tpu.memory_space<vmem>>, %arg8: memref<1024x8xf32, #tpu.memory_space<vmem>>) attributes {dimension_semantics = [#tpu.dimension_semantics<arbitrary>], iteration_bounds = array<i64: 10>, scalar_prefetch = 0 : i64, scratch_operands = 0 : i64, tpu.core_type = #tpu.core_type<tc>, window_params = [{transform_indices = @transform_0, window_bounds = array<i64: 1024, 128>}, {transform_indices = @transform_1, window_bounds = array<i64: 1024, 1>}, {transform_indices = @transform_2, window_bounds = array<i64: 1024, 1>}, {transform_indices = @transform_3, window_bounds = array<i64: 1024, 1>}, {transform_indices = @transform_4, window_bounds = array<i64: 1024, 1>}, {pipeline_mode = #tpu.pipeline_mode<synchronous>, transform_indices = @transform_5, window_bounds = array<i64: 128, 8>}, {pipeline_mode = #tpu.pipeline_mode<synchronous>, transform_indices = @transform_6, window_bounds = array<i64: 8, 8>}, {transform_indices = @transform_7, window_bounds = array<i64: 1024, 8>}]} {
    %get3A = arith.constant 0 : index
    %get3A_0 = arith.constant 0 : index
    %get3A_1 = vector.load %arg2[%get3A, %get3A_0] : memref<1024x1xf32, #tpu.memory_space<vmem>>, vector<1024x1xf32>
    %get3A_2 = arith.constant 0 : index
    %get3A_3 = arith.constant 0 : index
    %get3A_4 = vector.load %arg3[%get3A_2, %get3A_3] : memref<1024x1xf32, #tpu.memory_space<vmem>>, vector<1024x1xf32>
    %add3A = arith.addf %get3A_1, %get3A_4 : vector<1024x1xf32>
    %get3A_5 = arith.constant 0 : index
    %get3A_6 = arith.constant 0 : index
    %get3A_7 = vector.load %arg4[%get3A_5, %get3A_6] : memref<1024x1xf32, #tpu.memory_space<vmem>>, vector<1024x1xf32>
    %get3A_8 = arith.constant 0 : index
    %get3A_9 = arith.constant 0 : index
    %get3A_10 = vector.load %arg5[%get3A_8, %get3A_9] : memref<1024x1xf32, #tpu.memory_space<vmem>>, vector<1024x1xf32>
    %add3A_11 = arith.addf %get3A_7, %get3A_10 : vector<1024x1xf32>
    %max3A = arith.constant 1.000000e+00 : f32
    %max3A_12 = vector.broadcast %max3A : f32 to vector<1024x1xf32>
    %max3A_13 = arith.maximumf %add3A_11, %max3A_12 : vector<1024x1xf32>
    %div3A = arith.constant 1.000000e+00 : f32
    %div3A_14 = vector.broadcast %div3A : f32 to vector<1024x1xf32>
    %div3A_15 = arith.divf %div3A_14, %max3A_13 : vector<1024x1xf32>
    %mul3A = arith.mulf %add3A, %div3A_15 : vector<1024x1xf32>
    %get3A_16 = arith.constant 0 : index
    %get3A_17 = arith.constant 0 : index
    %get3A_18 = vector.load %arg1[%get3A_16, %get3A_17] : memref<1024x128xf32, #tpu.memory_space<vmem>>, vector<1024x128xf32>
    %get3A_19 = arith.constant 0 : index
    %get3A_20 = arith.constant 0 : index
    %get3A_21 = vector.load %arg6[%get3A_19, %get3A_20] : memref<128x8xf32, #tpu.memory_space<vmem>>, vector<128x8xf32>
    %dot_general3A = arith.constant dense<0.000000e+00> : vector<1024x8xf32>
    %dot_general3A_22 = tpu.matmul %get3A_18, %get3A_21, %dot_general3A {dimension_numbers = #tpu.dot_dimension_numbers<[1], [0], [0], [1], [0, 0, 1, 1], [], []>, transpose_lhs_hint = false} : vector<1024x128xf32>, vector<128x8xf32>, vector<1024x8xf32> -> vector<1024x8xf32>
    %add3A_23 = vector.broadcast %mul3A : vector<1024x1xf32> to vector<1024x8xf32>
    %add3A_24 = arith.addf %dot_general3A_22, %add3A_23 : vector<1024x8xf32>
    %get3A_25 = arith.constant 0 : index
    %get3A_26 = arith.constant 0 : index
    %get3A_27 = vector.load %arg7[%get3A_25, %get3A_26] : memref<8x8xf32, #tpu.memory_space<vmem>>, vector<1x8xf32>
    %add3A_28 = vector.broadcast %get3A_27 : vector<1x8xf32> to vector<1024x8xf32>
    %add3A_29 = arith.addf %add3A_24, %add3A_28 : vector<1024x8xf32>
    %swap3A = arith.constant 0 : index
    %swap3A_30 = arith.constant 0 : index
    %swap3A_31 = vector.load %arg8[%swap3A, %swap3A_30] : memref<1024x8xf32, #tpu.memory_space<vmem>>, vector<1024x8xf32>
    tpu.vector_store %arg8[%swap3A, %swap3A_30], %add3A_29 {strides = array<i32>} : memref<1024x8xf32, #tpu.memory_space<vmem>>, vector<1024x8xf32>,
    return
  }
  func.func @transform_0(%arg0: i32) -> (i32, i32) {
    %c0_i32 = arith.constant 0 : i32
    %c0_i32_0 = arith.constant 0 : i32
    return %arg0, %c0_i32 : i32, i32
  }
  func.func @transform_1(%arg0: i32) -> (i32, i32) {
    %c0_i32 = arith.constant 0 : i32
    %c0_i32_0 = arith.constant 0 : i32
    return %arg0, %c0_i32 : i32, i32
  }
  func.func @transform_2(%arg0: i32) -> (i32, i32) {
    %c0_i32 = arith.constant 0 : i32
    %c0_i32_0 = arith.constant 0 : i32
    return %arg0, %c0_i32 : i32, i32
  }
  func.func @transform_3(%arg0: i32) -> (i32, i32) {
    %c0_i32 = arith.constant 0 : i32
    %c0_i32_0 = arith.constant 0 : i32
    return %arg0, %c0_i32 : i32, i32
  }
  func.func @transform_4(%arg0: i32) -> (i32, i32) {
    %c0_i32 = arith.constant 0 : i32
    %c0_i32_0 = arith.constant 0 : i32
    return %arg0, %c0_i32 : i32, i32
  }
  func.func @transform_5(%arg0: i32) -> (i32, i32) {
    %c0_i32 = arith.constant 0 : i32
    %c0_i32_0 = arith.constant 0 : i32
    %c0_i32_1 = arith.constant 0 : i32
    return %c0_i32, %c0_i32_0 : i32, i32
  }
  func.func @transform_6(%arg0: i32) -> (i32, i32) {
    %c0_i32 = arith.constant 0 : i32
    %c0_i32_0 = arith.constant 0 : i32
    %c0_i32_1 = arith.constant 0 : i32
    return %c0_i32, %c0_i32_0 : i32, i32
  }
  func.func @transform_7(%arg0: i32) -> (i32, i32) {
    %c0_i32 = arith.constant 0 : i32
    %c0_i32_0 = arith.constant 0 : i32
    return %arg0, %c0_i32 : i32, i32
  }
}

</mosaic_0001>

<sc_bundles>
// kernel: kernel.11.cloned.1.call-start
scs
__scs_entry_jumppad:
0x0: {  	(pc) =	sbr.rel $0x88, $3  }
0x1: {  	(tag) =	ssettag $0x0;
	lr =	simm.s32 $0x1  }
0x2: {  	[smem:$0x3F96] =	sst lr;
	_ =	strace $0xD0000000  }
0x3: {  	_ = 	snop  }
0x4: {  	_ = 	snop  }
0x5: {  	_ = 	snop  }
0x6: {  	_ = 	snop  }
0x7: {  	_ = 	snop  }
__scs_overlays_trampoline_lowered:
0x8: {  	[smem:$0x3FA5] =	sst s0  }
0x9: {  	[smem:$0x3FA6] =	sst s1  }
0xa: {  	[smem:$0x3FA7] =	sst s2  }
0xb: {  	[smem:$0x3FA8] =	sst s3  }
0xc: {  	[smem:$0x3FA9] =	sst s4  }
0xd: {  	[smem:$0x3FAA] =	sst s5  }
0xe: {  	[smem:$0x3FAB] =	sst s6  }
0xf: {  	[smem:$0x3FAC] =	sst s7  }
0x10: {  	[smem:$0x3FAD] =	sst s8  }
0x11: {  	[smem:$0x3FAE] =	sst s9;
	s0 =	simm.s32 @!p0 $0x0  }
0x12: {  	s1 =	sld [smem:$0x3F94];
	s0 =	simm.s32 @p0 $0x1  }
0x13: {  	[smem:$0x3FAF] =	sst s0;
	s0 =	simm.s32 @!p1 $0x0  }
0x14: {  	s2 =	sld [smem:$0x3F93];
	s0 =	simm.s32 @p1 $0x1  }
0x15: {  	[smem:$0x3FB0] =	sst s0;
	s0 =	simm.s32 @!p2 $0x0  }
0x16: {  	s3 =	sld [smem:$0x3FDB];
	s0 =	simm.s32 @p2 $0x1  }
0x17: {  	s4 =	simm.s32 $0x1BF5;
	[smem:$0x3FB2] =	sst s0  }
0x18: {  	s0 =	sld [smem:$0x3F95];
	_ =	swait.ge [sflag:s4], $0x0  }
0x19: {  	s7 =	sld [smem:$0x3F96]  }
0x1a: {  	s8 =	sadd.s32 $0xFFFFE003, lr  }
0x1b: {  	s9 =	sadd.s32 $0xFFFFFEF7, lr;
	s5 =	simm.s32 $0xFFFFFFFF;
	p2 =	slt.u32 s8, $0xFFFFF086  }
0x1c: {  	p1 =	slt.u32 s9, $0xF7A;
	s5 =	simm.s32 @!p2 $0x0  }
0x1d: {  	s5 =	simm.s32 @p1 $0x1;
	p0 =	seq.s32 s7, s2  }
0x1e: {  	s7 =	smul.u32 @!p0 $0xF7A, s2;
	p2 =	seq.s32 @!p0 s5, $0x0  }
0x1f: {  	s9 =	smul.u32 $0xF7A, s1;
	s8 =	simm.s32 @!p0 $0x1BF5;
	p2 =	por !p2, p0  }
0x20: {  	[sflag:s8] =	ssyncset.s32 @!p0 $0xFFFFF086;
	s6 =	sadd.s32 @!p0 s3, s7;
	s7 =	simm.s32 @!p0 $0x108  }
0x21: {  	s3 =	sadd.s32 s3, s9;
	s6 =	sadd.s32 @!p0 $0x88, s6;
	s7 =	simm.s32 @p2 $0x1082  }
0x22: {  	[simem:s7], [sflag:s8] =	dma.local @!p0 [hbm:s6], $0xF7A  }
0x23: {  	s9 =	sor.u32 $0xD0000000, s2;
	s6 =	simm.s32 $0x108;
	_ =	swait.ge @!p0 [sflag:s8], $0x0  }
0x24: {  	s3 =	sadd.s32 $0x88, s3;
	s6 =	simm.s32 @!p1 $0x1082;
	[sflag:s4] =	ssyncset.s32 $0xFFFFF086  }
0x25: {  	[simem:s6], [sflag:s4] =	dma.local [hbm:s3], $0xF7A  }
0x26: {  	[smem:$0x3F96] =	sst s1;
	(tag) =	ssettag s2;
	_ =	strace s9  }
0x27: {  	s1 =	sld [smem:$0x3FA6]  }
0x28: {  	s2 =	sld [smem:$0x3FA7]  }
0x29: {  	s4 =	sld [smem:$0x3FA9]  }
0x2a: {  	p0 =	seq.s32 s5, $0x0;
	s5 =	sld [smem:$0x3FAA]  }
0x2b: {  	s6 =	sld [smem:$0x3FAB]  }
0x2c: {  	s7 =	sld [smem:$0x3FAC]  }
0x2d: {  	s3 =	simm.s32 $0x108;
	s8 =	sld [smem:$0x3FAD]  }
0x2e: {  	s3 =	simm.s32 @!p0 $0x1082;
	s9 =	sld [smem:$0x3FAE]  }
0x2f: {  	lr =	sadd.s32 s0, s3;
	s0 =	sld [smem:$0x3FA5]  }
0x30: {  	s3 =	sld [smem:$0x3FA8]  }
0x31: {  	[smem:$0x3FB1] =	sst s10  }
0x32: {  	s10 =	sld [smem:$0x3FAF];
	_ =	sdelay $0x3  }
0x33: {  	p0 =	seq.s32 s10, $0x1;
	s10 =	sld [smem:$0x3FB1];
	_ =	sdelay $0x3  }
0x34: {  	[smem:$0x3FB1] =	sst s10  }
0x35: {  	s10 =	sld [smem:$0x3FB0];
	_ =	sdelay $0x3  }
0x36: {  	p1 =	seq.s32 s10, $0x1;
	s10 =	sld [smem:$0x3FB1];
	_ =	sdelay $0x3  }
0x37: {  	[smem:$0x3FB1] =	sst s10  }
0x38: {  	s10 =	sld [smem:$0x3FB2]  }
0x39: {  	_ = 	snop;
	(pc) =	sbr.ind lr, $3  }
0x3a: {  	_ = 	snop  }
0x3b: {  	_ = 	snop  }
0x3c: {  	p2 =	seq.s32 s10, $0x1;
	s10 =	sld [smem:$0x3FB1]  }
0x3d: {  	_ =	shalt  }
0x3e: {  	_ =	shalt  }
0x3f: {  	_ =	shalt  }
0x40: {  	_ =	shalt  }
0x41: {  	_ =	shalt  }
0x42: {  	_ =	shalt  }
0x43: {  	_ =	shalt  }
0x44: {  	_ =	shalt  }
0x45: {  	_ =	shalt  }
0x46: {  	_ =	shalt  }
0x47: {  	_ =	shalt  }
0x48: {  	_ =	shalt  }
0x49: {  	_ =	shalt  }
0x4a: {  	_ =	shalt  }
0x4b: {  	_ =	shalt  }
0x4c: {  	_ =	shalt  }
0x4d: {  	_ =	shalt  }
0x4e: {  	_ =	shalt  }
0x4f: {  	_ =	shalt  }
0x50: {  	_ =	shalt  }
0x51: {  	_ =	shalt  }
0x52: {  	_ =	shalt  }
0x53: {  	_ =	shalt  }
0x54: {  	_ =	shalt  }
0x55: {  	_ =	shalt  }
0x56: {  	_ =	shalt  }
0x57: {  	_ =	shalt  }
0x58: {  	_ =	shalt  }
0x59: {  	_ =	shalt  }
0x5a: {  	_ =	shalt  }
0x5b: {  	_ =	shalt  }
0x5c: {  	_ =	shalt  }
0x5d: {  	_ =	shalt  }
0x5e: {  	_ =	shalt  }
0x5f: {  	_ =	shalt  }
0x60: {  	_ =	shalt  }
0x61: {  	_ =	shalt  }
0x62: {  	_ =	shalt  }
0x63: {  	_ =	shalt  }
0x64: {  	_ =	shalt  }
0x65: {  	_ =	shalt  }
0x66: {  	_ =	shalt  }
0x67: {  	_ =	shalt  }
0x68: {  	_ =	shalt  }
0x69: {  	_ =	shalt  }
0x6a: {  	_ =	shalt  }
0x6b: {  	_ =	shalt  }
0x6c: {  	_ =	shalt  }
0x6d: {  	_ =	shalt  }
0x6e: {  	_ =	shalt  }
0x6f: {  	_ =	shalt  }
0x70: {  	_ =	shalt  }
0x71: {  	_ =	shalt  }
0x72: {  	_ =	shalt  }
0x73: {  	_ =	shalt  }
0x74: {  	_ =	shalt  }
0x75: {  	_ =	shalt  }
0x76: {  	_ =	shalt  }
0x77: {  	_ =	shalt  }
0x78: {  	_ =	shalt  }
0x79: {  	_ =	shalt  }
0x7a: {  	_ =	shalt  }
0x7b: {  	_ =	shalt  }
0x7c: {  	_ =	shalt  }
0x7d: {  	_ =	shalt  }
0x7e: {  	_ =	shalt  }
0x7f: {  	_ =	shalt  }
0x80: {  	_ =	shalt  }
0x81: {  	_ =	shalt  }
0x82: {  	_ =	shalt  }
0x83: {  	_ =	shalt  }
0x84: {  	_ =	shalt  }
0x85: {  	_ =	shalt  }
0x86: {  	_ =	shalt  }
0x87: {  	_ =	shalt  }
.Lfunc_end0:
.L_simem_size_0:
called_computation.1_lowered:
.L_overlay_start_0:
0x88: {  	s2 =	sld [smem:$0x3FD9]  }
0x89: {  	s3 =	sld [smem:$0x3FFE];
	_ =	sdelay $0x1  }
0x8a: {  	s1 =	srdreg.scid  }
0x8b: {  	s0 =	sand.u32 $0x1, s1  }
0x8c: {  	s16 =	sshll.u32 s0, $0xA;
	s2 =	sadd.s32 s3, s2  }
0x8d: {  	s2 =	sadd.s32 s2, s16  }
0x8e: {  	[smem:$0x3FBD] =	sst s2  }
0x8f: {  	_ = 	snop  }
0x90: {  	(tm) =	ssettm $0x1  }
0x91: {  	s17 =	sld [smem:$0x3FFB];
	_ =	sdelay $0x3  }
0x92: {  	_ =	strace s17  }
0x93: {  	s2 =	sld [smem:$0x3FFC];
	_ =	sdelay $0x3  }
0x94: {  	_ =	strace s2  }
0x95: {  	s2 =	sld [smem:$0x3FFD];
	_ =	sdelay $0x3  }
0x96: {  	_ =	strace s2  }
0x97: {  	_ =	strace $0x8FFFFFFF  }
0x98: {  	s18 =	sld [smem:$0x3FDB];
	_ =	sdelay $0x1  }
0x99: {  	s19 =	simm.s32 $_scs_section_size  }
0x9a: {  	s4 =	simm.s32 $_size__tile_overlayer_lowered;
	s5 =	simm.s32 $_tile_overlayer_lowered  }
0x9b: {  	s22 =	simm.s32 $0x1BFF;
	s21 =	sshll.u32 s5, $0x1;
	s2 =	sadd.s32 s19, s18  }
0x9c: {  	s6 =	simm.s32 $0x0;
	s20 =	sshll.u32 s4, $0x1;
	s4 =	sadd.s32 s21, s2  }
0x9d: {  	[timem:s6], [sflag:s22] =	dma.local [hbm:s4], s20  }
0x9e: {  	_ =	swait.ge [sflag:s22], s20  }
0x9f: {  	s3 =	ssub.s32 $0x0, s20;
	[sflag:s22] =	ssyncset.done $0x0  }
0xa0: {  	[sflag:s22] =	ssyncadd.s32 s3;
	_ =	sdelay $0x1  }
0xa1: {  	s23 =	simm.s32 $0x1B8B  }
0xa2: {  	_ =	swait.ge [sflag:s23], $0x1  }
0xa3: {  	[sflag:s23] =	ssyncset.done $0x0  }
0xa4: {  	s25 =	simm.s32 $0x1B8E;
	s24 =	sld [smem:$0x3FFE];
	[sflag:s23] =	ssyncadd.s32 $0xFFFFFFFF  }
0xa5: {  	s26 =	simm.s32 $execute0_lowered;
	[smem:$0x3FD2] =	sst s25  }
0xa6: {  	s4 =	sshll.u32 s26, $0x1;
	_ =	strace $0x80000049;
	[dreg:$0x1] =	wrdreg $0xFFFFFFFF  }
0xa7: {  	s28 =	simm.s32 $_size_execute0_lowered;
	s2 =	sadd.s32 s2, s4;
	[dreg:$0x0] =	wrdreg $0x0  }
0xa8: {  	s4 =	sshll.u32 s28, $0x1;
	[dreg:$0x2] =	wrdreg s2  }
0xa9: {  	[dreg:$0x3] =	wrdreg s4  }
0xaa: {  	[dreg:$0x4] =	wrdreg $0xC0  }
0xab: {  	_ =	task [dreg:s6], $0x5FFFF  }
0xac: {  	[dreg:$0x1] =	wrdreg $0xFFFFFFFF  }
0xad: {  	[dreg:$0x0] =	wrdreg $0x60  }
0xae: {  	[dreg:$0x2] =	wrdreg s24  }
0xaf: {  	[dreg:$0x3] =	wrdreg $0x82000  }
0xb0: {  	[dreg:$0x4] =	wrdreg $0x9  }
0xb1: {  	_ =	task.clear_ibuf [dreg:s6], $0x5FFFF;
	_ =	strace $0x90000049  }
0xb2: {  	s29 =	simm.s32 $0x9;
	_ =	strace $0x8000004B  }
0xb3: {  	_ =	swait.ge [sflag:s29], $0x1  }
0xb4: {  	[sflag:s29] =	ssyncadd.s32 $0xFFFFFFFF  }
0xb5: {  	_ =	strace $0x9000004B  }
0xb6: {  	_ =	sfence  }
0xb7: {  	s30 =	sld [smem:$0x0];
	_ =	sdelay $0x2  }
0xb8: {  	s31 =	sshll.u32 s1, $0xD;
	s1 =	sshrl.u32 s1, $0x2  }
0xb9: {  	s3 =	sand.u32 $0x4000, s31;
	s1 =	sadd.s32 s1, s30  }
0xba: {  	s0 =	sor.u32 s3, s0;
	s1 =	sshll.u32 s1, $0x11  }
0xbb: {  	s0 =	sor.u32 s1, s0  }
0xbc: {  	s0 =	sadd.s32 $0x8F2B, s0  }
0xbd: {  	[sflag:s0] =	ssyncadd.remote.s32 $0x1  }
0xbe: {  	_ =	sfence.sel $0xFFFF  }
0xbf: {  	[dreg:$0x0] =	wrdreg $0xFFFFFFFF;
	(pc) =	sbr.abs _section_cstart, $3  }
0xc0: {  	[dreg:$0x1] =	wrdreg $0xFFFFFFFF  }
0xc1: {  	_ =	task.clear_ibuf [dreg:s6], $0x2FFFF;
	_ =	strace $0x9FFFFFFF  }
0xc2: {  	(tm) =	ssettm $0x7FFFFFFF  }
0xc3: {  	_ =	shalt  }
tec
execute0_lowered:
.L_overlay_start_1:
0x0: {  	(tag) =	ssettag $0x1  }
0x1: {  	s6 =	rddreg [dreg:$0x0]  }
0x2: {  	s2 =	rddreg [dreg:$0x1]  }
0x3: {  	s0 =	rddreg [dreg:$0x2];
	s4 =	srdreg.scid  }
0x4: {  	s1 =	stileid.u32;
	s3 =	simm.s32 $0x0;
	s18 =	simm.s32 $0x3  }
0x5: {  	s19 =	simm.s32 $0x80;
	s20 =	simm.s32 $0x200;
	s21 =	simm.s32 $0x1  }
0x6: {  	s22 =	simm.s32 $0x4;
	s23 =	simm.s32 $0x4200;
	s8 =	smul.u32 $0x2800, s1  }
0x7: {  	s7 =	sand.u32 $0x1, s4;
	[smem:$0x7FF] =	sst s3;
	s11 =	smul.u32 $0x50000, s1  }
0x8: {  	s4 =	sadd.s32 $0x3400, s6;
	s14 =	sadd.s32 $0x2B400, s6;
	s13 =	smul.u32 $0x5000, s1  }
0x9: {  	s5 =	sadd.s32 $0x3F400, s6;
	s30 =	sshll.u32 s1, $0x6;
	s9 =	smul.u32 $0x28000, s7  }
0xa: {  	_ =	strace $0x8000004A;
	s24 =	sshll.u32 s7, $0x4;
	s10 =	ssub.s32 $0x2, s7  }
0xb: {  	s29 =	smul.u32 $0x50000, s7;
	s25 =	sshrl.u32 s10, $0x1;
	s28 =	sshrl.u32 s11, $0x2  }
0xc: {  	s8 =	sadd.s32 s8, s9;
	s9 =	sor.u32 s1, s24;
	s10 =	ssub.s32 s10, s25  }
0xd: {  	s15 =	sadd.s32 s28, s2;
	s11 =	sadd.s32 s13, s29;
	s24 =	simm.s32 $0x2  }
0xe: {  	s25 =	simm.s32 $0x180;
	s12 =	sadd.s32 s8, s6;
	s26 =	smul.u32 $0x5000, s9  }
0xf: {  	s6 =	sor.u32 $0x1C05, s30;
	s10 =	smax.u32 s10, $0x1;
	s31 =	sor.u32 $0x200, s11  }
0x10: {  	s13 =	sor.u32 $0x300, s11;
	s15 =	sshrl.u32 s15, $0x3;
	s9 =	sadd.s32 $0x91C00, s12  }
0x11: {  	s16 =	sshrl.u32 s31, $0x3;
	s17 =	sshrl.u32 s13, $0x3;
	s8 =	sshrl.u32 s26, $0x3  }
0x12: {  	s13 =	sadd.s32 s16, s14;
	s16 =	simm.s32 $0x5;
	s26 =	simm.s32 $0x0  }
0x13: {  	s7 =	sadd.s32 s14, s8;
	s14 =	sadd.s32 s17, s14;
	s17 =	simm.s32 $0x100  }
0x14: {  	s8 =	sadd.s32 $0x20, s7;
	s11 =	sadd.s32 $0x9E0, s7;
	s12 =	sadd.s32 $0x9C0, s7  }
.LBB2_1:
0x15: {  	[spmem:s15], [sflag:s6] =	dma.local [hbm:s5], $0x2800  }
0x16: {  	_ =	swait.ge [sflag:s16], $0x2800  }
0x17: {  	[sflag:s16] =	ssyncset.done $0x0  }
0x18: {  	[sflag:s16] =	ssyncadd.s32 $0xFFFFD800  }
0x19: {  	[bflag:$0x0] =	sbarrier.arrive $0xFFFF  }
0x1a: {  	[tilespmem:s3], [sflag:$0x3] =	stream.linear.gather [hbm4b:s7+s3], $0x100, $0x38;
	[tilespmem:$0x1C200] =	vst v63  }
0x1b: {  	_ = 	snop  }
0x1c: {  	[tilespmem:s17], [sflag:$0x4] =	stream.linear.gather [hbm4b:s8+s3], $0x100, $0x38;
	[tilespmem:$0x1C200] =	vst v63  }
0x1d: {  	_ =	swait.ge [sflag:s18], $0x100  }
0x1e: {  	[sflag:s18] =	ssyncset.done $0x0  }
0x1f: {  	[sflag:s18] =	ssyncadd.s32 $0xFFFFFF00  }
0x20: {  	[tilespmem:s20], [sflag:$0x1] =	stream.indirect.gather [hbm4b:s4+s19], $0x80, s3, s19, $0xb8;
	[tilespmem:$0x1C200] =	vst v63  }
0x21: {  	_ =	swait.ge [sflag:s21], $0x4000  }
0x22: {  	[sflag:s21] =	ssyncset.done $0x0  }
0x23: {  	[sflag:s21] =	ssyncadd.s32 $0xFFFFC000  }
0x24: {  	_ =	swait.ge [sflag:s22], $0x100  }
0x25: {  	[sflag:s22] =	ssyncset.done $0x0  }
0x26: {  	[sflag:s22] =	ssyncadd.s32 $0xFFFFFF00  }
0x27: {  	[tilespmem:s23], [sflag:$0x2] =	stream.indirect.gather [hbm4b:s4+s19], $0x80, s17, s19, $0xb8;
	[tilespmem:$0x1C200] =	vst v63  }
0x28: {  	_ = 	snop  }
0x29: {  	[spmem:s2] =	stream.indirect.scatter.add.f32 [tilespmem:s20], [sflag:$0x5], $0x80, s19, s19, $0xb8;
	[tilespmem:$0x1C200] =	vst v63  }
0x2a: {  	_ =	swait.ge [sflag:s16], $0x4000  }
0x2b: {  	[sflag:s16] =	ssyncset.done $0x0  }
0x2c: {  	s28 =	sadd.s32 $0x0, s13;
	[sflag:s16] =	ssyncadd.s32 $0xFFFFC000  }
0x2d: {  	[tilespmem:s3], [sflag:$0x3] =	stream.linear.gather [hbm4b:s28+s3], $0x100, $0x38;
	[tilespmem:$0x1C200] =	vst v63  }
0x2e: {  	_ =	swait.ge [sflag:s24], $0x4000  }
0x2f: {  	[sflag:s24] =	ssyncset.done $0x0  }
0x30: {  	[sflag:s24] =	ssyncadd.s32 $0xFFFFC000  }
0x31: {  	_ =	swait.ge [sflag:s18], $0x100  }
0x32: {  	[sflag:s18] =	ssyncset.done $0x0  }
0x33: {  	[sflag:s18] =	ssyncadd.s32 $0xFFFFFF00  }
0x34: {  	[tilespmem:s20], [sflag:$0x1] =	stream.indirect.gather [hbm4b:s4+s19], $0x80, s3, s19, $0xb8;
	[tilespmem:$0x1C200] =	vst v63  }
0x35: {  	_ = 	snop  }
0x36: {  	[spmem:s2] =	stream.indirect.scatter.add.f32 [tilespmem:s23], [sflag:$0x5], $0x80, s25, s19, $0xb8;
	[tilespmem:$0x1C200] =	vst v63  }
0x37: {  	_ =	swait.ge [sflag:s16], $0x4000  }
0x38: {  	[sflag:s16] =	ssyncset.done $0x0  }
0x39: {  	s29 =	sadd.s32 $0x0, s14;
	s28 =	simm.s32 $0x40;
	[sflag:s16] =	ssyncadd.s32 $0xFFFFC000  }
.LBB2_2:
0x3a: {  	[tilespmem:s17], [sflag:$0x4] =	stream.linear.gather [hbm4b:s29+s3], $0x100, $0x38;
	[tilespmem:$0x1C200] =	vst v63  }
0x3b: {  	s29 =	smov.u32 s28  }
0x3c: {  	p0 =	sne.s32 s28, $0x940;
	s28 =	sadd.s32 $0x40, s28;
	_ =	swait.ge [sflag:s21], $0x4000  }
0x3d: {  	[sflag:s21] =	ssyncset.done $0x0  }
0x3e: {  	[sflag:s21] =	ssyncadd.s32 $0xFFFFC000  }
0x3f: {  	_ =	swait.ge [sflag:s22], $0x100  }
0x40: {  	[sflag:s22] =	ssyncset.done $0x0  }
0x41: {  	[sflag:s22] =	ssyncadd.s32 $0xFFFFFF00  }
0x42: {  	[tilespmem:s23], [sflag:$0x2] =	stream.indirect.gather [hbm4b:s4+s19], $0x80, s17, s19, $0xb8;
	[tilespmem:$0x1C200] =	vst v63  }
0x43: {  	_ = 	snop  }
0x44: {  	[spmem:s2] =	stream.indirect.scatter.add.f32 [tilespmem:s20], [sflag:$0x5], $0x80, s19, s19, $0xb8;
	[tilespmem:$0x1C200] =	vst v63  }
0x45: {  	_ =	swait.ge [sflag:s16], $0x4000  }
0x46: {  	[sflag:s16] =	ssyncset.done $0x0  }
0x47: {  	s30 =	sadd.s32 s29, s13;
	[sflag:s16] =	ssyncadd.s32 $0xFFFFC000  }
0x48: {  	[tilespmem:s3], [sflag:$0x3] =	stream.linear.gather [hbm4b:s30+s3], $0x100, $0x38;
	[tilespmem:$0x1C200] =	vst v63  }
0x49: {  	_ =	swait.ge [sflag:s24], $0x4000  }
0x4a: {  	[sflag:s24] =	ssyncset.done $0x0  }
0x4b: {  	[sflag:s24] =	ssyncadd.s32 $0xFFFFC000  }
0x4c: {  	_ =	swait.ge [sflag:s18], $0x100  }
0x4d: {  	[sflag:s18] =	ssyncset.done $0x0  }
0x4e: {  	[sflag:s18] =	ssyncadd.s32 $0xFFFFFF00  }
0x4f: {  	[tilespmem:s20], [sflag:$0x1] =	stream.indirect.gather [hbm4b:s4+s19], $0x80, s3, s19, $0xb8;
	[tilespmem:$0x1C200] =	vst v63  }
.Ltmp0:
0x50: {  	(pc) =	sbr.rel @p0 .LBB2_2-.Ltmp0, $4  }
0x51: {  	[spmem:s2] =	stream.indirect.scatter.add.f32 [tilespmem:s23], [sflag:$0x5], $0x80, s25, s19, $0xb8;
	[tilespmem:$0x1C200] =	vst v63  }
0x52: {  	_ =	swait.ge [sflag:s16], $0x4000  }
0x53: {  	[sflag:s16] =	ssyncset.done $0x0  }
0x54: {  	s29 =	sadd.s32 s29, s14;
	[sflag:s16] =	ssyncadd.s32 $0xFFFFC000  }
0x55: {  	[tilespmem:s17], [sflag:$0x4] =	stream.linear.gather [hbm4b:s29+s3], $0x100, $0x38;
	[tilespmem:$0x1C200] =	vst v63  }
0x56: {  	_ =	swait.ge [sflag:s21], $0x4000  }
0x57: {  	[sflag:s21] =	ssyncset.done $0x0  }
0x58: {  	[sflag:s21] =	ssyncadd.s32 $0xFFFFC000  }
0x59: {  	_ =	swait.ge [sflag:s22], $0x100  }
0x5a: {  	[sflag:s22] =	ssyncset.done $0x0  }
0x5b: {  	[sflag:s22] =	ssyncadd.s32 $0xFFFFFF00  }
0x5c: {  	[tilespmem:s23], [sflag:$0x2] =	stream.indirect.gather [hbm4b:s4+s19], $0x80, s17, s19, $0xb8;
	[tilespmem:$0x1C200] =	vst v63  }
0x5d: {  	_ = 	snop  }
0x5e: {  	[spmem:s2] =	stream.indirect.scatter.add.f32 [tilespmem:s20], [sflag:$0x5], $0x80, s19, s19, $0xb8;
	[tilespmem:$0x1C200] =	vst v63  }
0x5f: {  	_ =	swait.ge [sflag:s16], $0x4000  }
0x60: {  	[sflag:s16] =	ssyncset.done $0x0  }
0x61: {  	[sflag:s16] =	ssyncadd.s32 $0xFFFFC000  }
0x62: {  	[tilespmem:s3], [sflag:$0x3] =	stream.linear.gather [hbm4b:s12+s3], $0x100, $0x38;
	[tilespmem:$0x1C200] =	vst v63  }
0x63: {  	_ =	swait.ge [sflag:s24], $0x4000  }
0x64: {  	[sflag:s24] =	ssyncset.done $0x0  }
0x65: {  	[sflag:s24] =	ssyncadd.s32 $0xFFFFC000  }
0x66: {  	_ =	swait.ge [sflag:s18], $0x100  }
0x67: {  	[sflag:s18] =	ssyncset.done $0x0  }
0x68: {  	[sflag:s18] =	ssyncadd.s32 $0xFFFFFF00  }
0x69: {  	[tilespmem:s20], [sflag:$0x1] =	stream.indirect.gather [hbm4b:s4+s19], $0x80, s3, s19, $0xb8;
	[tilespmem:$0x1C200] =	vst v63  }
0x6a: {  	_ = 	snop  }
0x6b: {  	[spmem:s2] =	stream.indirect.scatter.add.f32 [tilespmem:s23], [sflag:$0x5], $0x80, s25, s19, $0xb8;
	[tilespmem:$0x1C200] =	vst v63  }
0x6c: {  	_ =	swait.ge [sflag:s16], $0x4000  }
0x6d: {  	[sflag:s16] =	ssyncset.done $0x0  }
0x6e: {  	[sflag:s16] =	ssyncadd.s32 $0xFFFFC000  }
0x6f: {  	[tilespmem:s17], [sflag:$0x4] =	stream.linear.gather [hbm4b:s11+s3], $0x100, $0x38;
	[tilespmem:$0x1C200] =	vst v63  }
0x70: {  	_ =	swait.ge [sflag:s21], $0x4000  }
0x71: {  	[sflag:s21] =	ssyncset.done $0x0  }
0x72: {  	[sflag:s21] =	ssyncadd.s32 $0xFFFFC000  }
0x73: {  	_ =	swait.ge [sflag:s22], $0x100  }
0x74: {  	[sflag:s22] =	ssyncset.done $0x0  }
0x75: {  	[sflag:s22] =	ssyncadd.s32 $0xFFFFFF00  }
0x76: {  	[tilespmem:s23], [sflag:$0x2] =	stream.indirect.gather [hbm4b:s4+s19], $0x80, s17, s19, $0xb8;
	[tilespmem:$0x1C200] =	vst v63  }
0x77: {  	_ = 	snop  }
0x78: {  	[spmem:s2] =	stream.indirect.scatter.add.f32 [tilespmem:s20], [sflag:$0x5], $0x80, s19, s19, $0xb8;
	[tilespmem:$0x1C200] =	vst v63  }
0x79: {  	_ =	swait.ge [sflag:s16], $0x4000  }
0x7a: {  	[sflag:s16] =	ssyncset.done $0x0  }
0x7b: {  	[sflag:s16] =	ssyncadd.s32 $0xFFFFC000  }
0x7c: {  	[tilespmem:s3], [sflag:$0x3] =	stream.linear.gather [hbm4b:s11+s3], $0x100, $0x38;
	[tilespmem:$0x1C200] =	vst v63  }
0x7d: {  	_ =	swait.ge [sflag:s24], $0x4000  }
0x7e: {  	[sflag:s24] =	ssyncset.done $0x0  }
0x7f: {  	[sflag:s24] =	ssyncadd.s32 $0xFFFFC000  }
0x80: {  	_ =	swait.ge [sflag:s18], $0x100  }
0x81: {  	[sflag:s18] =	ssyncset.done $0x0  }
0x82: {  	[sflag:s18] =	ssyncadd.s32 $0xFFFFFF00  }
0x83: {  	[tilespmem:s20], [sflag:$0x1] =	stream.indirect.gather [hbm4b:s4+s19], $0x80, s3, s19, $0xb8;
	[tilespmem:$0x1C200] =	vst v63  }
0x84: {  	_ = 	snop  }
0x85: {  	[spmem:s2] =	stream.indirect.scatter.add.f32 [tilespmem:s23], [sflag:$0x5], $0x80, s25, s19, $0xb8;
	[tilespmem:$0x1C200] =	vst v63  }
0x86: {  	_ =	swait.ge [sflag:s16], $0x4000  }
0x87: {  	[sflag:s16] =	ssyncset.done $0x0  }
0x88: {  	[sflag:s16] =	ssyncadd.s32 $0xFFFFC000  }
0x89: {  	[tilespmem:s17], [sflag:$0x4] =	stream.linear.gather [hbm4b:s11+s3], $0x100, $0x38;
	[tilespmem:$0x1C200] =	vst v63  }
0x8a: {  	_ =	swait.ge [sflag:s21], $0x4000  }
0x8b: {  	[sflag:s21] =	ssyncset.done $0x0  }
0x8c: {  	[sflag:s21] =	ssyncadd.s32 $0xFFFFC000  }
0x8d: {  	_ =	swait.ge [sflag:s22], $0x100  }
0x8e: {  	s26 =	sadd.s32 $0x1, s26;
	[sflag:s22] =	ssyncset.done $0x0  }
0x8f: {  	p0 =	sne.s32 s26, s10;
	[sflag:s22] =	ssyncadd.s32 $0xFFFFFF00  }
.Ltmp1:
0x90: {  	[bflag:$0x0] =	sbarrier.arrive $0xFFFF;
	(pc) =	sbr.rel @p0 .LBB2_1-.Ltmp1, $4  }
0x91: {  	[hbm:s9], [sflag:s6] =	dma.local [spmem:s15], $0x2800  }
0x92: {  	_ =	swait.ge [sflag:s16], $0x2800  }
0x93: {  	[sflag:s16] =	ssyncset.done $0x0  }
0x94: {  	[sflag:s16] =	ssyncadd.s32 $0xFFFFD800  }
0x95: {  	_ =	sfence.sel $0x180000  }
0x96: {  	[bflag:$0x0] =	sbarrier.arrive $0xFFFF  }
0x97: {  	p0 =	sne.s32 s1, $0x0;
	_ =	strace $0x9000004A  }
0x98: {  	s0 =	sadd.s32 @!p0 $0x100000, s0;
	[bflag:$0x2] =	sbarrier.arrive $0xFFFF  }
0x99: {  	[sflag:s0] =	ssyncadd.tile.s32 @!p0 $0x1;
	_ =	shalt  }
.Lfunc_end2:
_tile_overlayer_lowered:
.L_overlay_start_2:
0x9a: {  	(tag) =	ssettag $0x2  }
0x9b: {  	s0 =	rddreg [dreg:$0x0];
	s2 =	stileid.u32  }
0x9c: {  	s1 =	rddreg [dreg:$0x1];
	p0 =	sne.s32 s2, $0x0  }
0x9d: {  	s3 =	rddreg [dreg:$0x2];
	[bflag:$0x3] =	sbarrier.arrive $0xFFFF;
	s2 =	simm.s32 @!p0 $0x1C05  }
0x9e: {  	[timem:s3], [sflag:s2] =	dma.local @!p0 [hbm:s0], s1  }
0x9f: {  	s0 =	simm.s32 @!p0 $0x5  }
0xa0: {  	_ =	swait.ge @!p0 [sflag:s0], s1  }
0xa1: {  	s1 =	ssub.s32 @!p0 $0x0, s1;
	[sflag:s0] =	ssyncset.done @!p0 $0x0  }
0xa2: {  	[sflag:s0] =	ssyncadd.s32 @!p0 s1  }
0xa3: {  	[bflag:$0x3] =	sbarrier.arrive $0xFFFF  }
0xa4: {  	_ =	shalt  }

// kernel: kernel.14.cloned.1.call-start
scs
__scs_entry_jumppad:
0x0: {  	(pc) =	sbr.rel $0x88, $3  }
0x1: {  	(tag) =	ssettag $0x0;
	lr =	simm.s32 $0x1  }
0x2: {  	[smem:$0x3F96] =	sst lr;
	_ =	strace $0xD0000000  }
0x3: {  	_ = 	snop  }
0x4: {  	_ = 	snop  }
0x5: {  	_ = 	snop  }
0x6: {  	_ = 	snop  }
0x7: {  	_ = 	snop  }
__scs_overlays_trampoline_lowered:
0x8: {  	[smem:$0x3FA5] =	sst s0  }
0x9: {  	[smem:$0x3FA6] =	sst s1  }
0xa: {  	[smem:$0x3FA7] =	sst s2  }
0xb: {  	[smem:$0x3FA8] =	sst s3  }
0xc: {  	[smem:$0x3FA9] =	sst s4  }
0xd: {  	[smem:$0x3FAA] =	sst s5  }
0xe: {  	[smem:$0x3FAB] =	sst s6  }
0xf: {  	[smem:$0x3FAC] =	sst s7  }
0x10: {  	[smem:$0x3FAD] =	sst s8  }
0x11: {  	[smem:$0x3FAE] =	sst s9;
	s0 =	simm.s32 @!p0 $0x0  }
0x12: {  	s1 =	sld [smem:$0x3F94];
	s0 =	simm.s32 @p0 $0x1  }
0x13: {  	[smem:$0x3FAF] =	sst s0;
	s0 =	simm.s32 @!p1 $0x0  }
0x14: {  	s2 =	sld [smem:$0x3F93];
	s0 =	simm.s32 @p1 $0x1  }
0x15: {  	[smem:$0x3FB0] =	sst s0;
	s0 =	simm.s32 @!p2 $0x0  }
0x16: {  	s3 =	sld [smem:$0x3FDB];
	s0 =	simm.s32 @p2 $0x1  }
0x17: {  	s4 =	simm.s32 $0x1BF5;
	[smem:$0x3FB2] =	sst s0  }
0x18: {  	s0 =	sld [smem:$0x3F95];
	_ =	swait.ge [sflag:s4], $0x0  }
0x19: {  	s7 =	sld [smem:$0x3F96]  }
0x1a: {  	s8 =	sadd.s32 $0xFFFFE003, lr  }
0x1b: {  	s9 =	sadd.s32 $0xFFFFFEF7, lr;
	s5 =	simm.s32 $0xFFFFFFFF;
	p2 =	slt.u32 s8, $0xFFFFF086  }
0x1c: {  	p1 =	slt.u32 s9, $0xF7A;
	s5 =	simm.s32 @!p2 $0x0  }
0x1d: {  	s5 =	simm.s32 @p1 $0x1;
	p0 =	seq.s32 s7, s2  }
0x1e: {  	s7 =	smul.u32 @!p0 $0xF7A, s2;
	p2 =	seq.s32 @!p0 s5, $0x0  }
0x1f: {  	s9 =	smul.u32 $0xF7A, s1;
	s8 =	simm.s32 @!p0 $0x1BF5;
	p2 =	por !p2, p0  }
0x20: {  	[sflag:s8] =	ssyncset.s32 @!p0 $0xFFFFF086;
	s6 =	sadd.s32 @!p0 s3, s7;
	s7 =	simm.s32 @!p0 $0x108  }
0x21: {  	s3 =	sadd.s32 s3, s9;
	s6 =	sadd.s32 @!p0 $0x88, s6;
	s7 =	simm.s32 @p2 $0x1082  }
0x22: {  	[simem:s7], [sflag:s8] =	dma.local @!p0 [hbm:s6], $0xF7A  }
0x23: {  	s9 =	sor.u32 $0xD0000000, s2;
	s6 =	simm.s32 $0x108;
	_ =	swait.ge @!p0 [sflag:s8], $0x0  }
0x24: {  	s3 =	sadd.s32 $0x88, s3;
	s6 =	simm.s32 @!p1 $0x1082;
	[sflag:s4] =	ssyncset.s32 $0xFFFFF086  }
0x25: {  	[simem:s6], [sflag:s4] =	dma.local [hbm:s3], $0xF7A  }
0x26: {  	[smem:$0x3F96] =	sst s1;
	(tag) =	ssettag s2;
	_ =	strace s9  }
0x27: {  	s1 =	sld [smem:$0x3FA6]  }
0x28: {  	s2 =	sld [smem:$0x3FA7]  }
0x29: {  	s4 =	sld [smem:$0x3FA9]  }
0x2a: {  	p0 =	seq.s32 s5, $0x0;
	s5 =	sld [smem:$0x3FAA]  }
0x2b: {  	s6 =	sld [smem:$0x3FAB]  }
0x2c: {  	s7 =	sld [smem:$0x3FAC]  }
0x2d: {  	s3 =	simm.s32 $0x108;
	s8 =	sld [smem:$0x3FAD]  }
0x2e: {  	s3 =	simm.s32 @!p0 $0x1082;
	s9 =	sld [smem:$0x3FAE]  }
0x2f: {  	lr =	sadd.s32 s0, s3;
	s0 =	sld [smem:$0x3FA5]  }
0x30: {  	s3 =	sld [smem:$0x3FA8]  }
0x31: {  	[smem:$0x3FB1] =	sst s10  }
0x32: {  	s10 =	sld [smem:$0x3FAF];
	_ =	sdelay $0x3  }
0x33: {  	p0 =	seq.s32 s10, $0x1;
	s10 =	sld [smem:$0x3FB1];
	_ =	sdelay $0x3  }
0x34: {  	[smem:$0x3FB1] =	sst s10  }
0x35: {  	s10 =	sld [smem:$0x3FB0];
	_ =	sdelay $0x3  }
0x36: {  	p1 =	seq.s32 s10, $0x1;
	s10 =	sld [smem:$0x3FB1];
	_ =	sdelay $0x3  }
0x37: {  	[smem:$0x3FB1] =	sst s10  }
0x38: {  	s10 =	sld [smem:$0x3FB2]  }
0x39: {  	_ = 	snop;
	(pc) =	sbr.ind lr, $3  }
0x3a: {  	_ = 	snop  }
0x3b: {  	_ = 	snop  }
0x3c: {  	p2 =	seq.s32 s10, $0x1;
	s10 =	sld [smem:$0x3FB1]  }
0x3d: {  	_ =	shalt  }
0x3e: {  	_ =	shalt  }
0x3f: {  	_ =	shalt  }
0x40: {  	_ =	shalt  }
0x41: {  	_ =	shalt  }
0x42: {  	_ =	shalt  }
0x43: {  	_ =	shalt  }
0x44: {  	_ =	shalt  }
0x45: {  	_ =	shalt  }
0x46: {  	_ =	shalt  }
0x47: {  	_ =	shalt  }
0x48: {  	_ =	shalt  }
0x49: {  	_ =	shalt  }
0x4a: {  	_ =	shalt  }
0x4b: {  	_ =	shalt  }
0x4c: {  	_ =	shalt  }
0x4d: {  	_ =	shalt  }
0x4e: {  	_ =	shalt  }
0x4f: {  	_ =	shalt  }
0x50: {  	_ =	shalt  }
0x51: {  	_ =	shalt  }
0x52: {  	_ =	shalt  }
0x53: {  	_ =	shalt  }
0x54: {  	_ =	shalt  }
0x55: {  	_ =	shalt  }
0x56: {  	_ =	shalt  }
0x57: {  	_ =	shalt  }
0x58: {  	_ =	shalt  }
0x59: {  	_ =	shalt  }
0x5a: {  	_ =	shalt  }
0x5b: {  	_ =	shalt  }
0x5c: {  	_ =	shalt  }
0x5d: {  	_ =	shalt  }
0x5e: {  	_ =	shalt  }
0x5f: {  	_ =	shalt  }
0x60: {  	_ =	shalt  }
0x61: {  	_ =	shalt  }
0x62: {  	_ =	shalt  }
0x63: {  	_ =	shalt  }
0x64: {  	_ =	shalt  }
0x65: {  	_ =	shalt  }
0x66: {  	_ =	shalt  }
0x67: {  	_ =	shalt  }
0x68: {  	_ =	shalt  }
0x69: {  	_ =	shalt  }
0x6a: {  	_ =	shalt  }
0x6b: {  	_ =	shalt  }
0x6c: {  	_ =	shalt  }
0x6d: {  	_ =	shalt  }
0x6e: {  	_ =	shalt  }
0x6f: {  	_ =	shalt  }
0x70: {  	_ =	shalt  }
0x71: {  	_ =	shalt  }
0x72: {  	_ =	shalt  }
0x73: {  	_ =	shalt  }
0x74: {  	_ =	shalt  }
0x75: {  	_ =	shalt  }
0x76: {  	_ =	shalt  }
0x77: {  	_ =	shalt  }
0x78: {  	_ =	shalt  }
0x79: {  	_ =	shalt  }
0x7a: {  	_ =	shalt  }
0x7b: {  	_ =	shalt  }
0x7c: {  	_ =	shalt  }
0x7d: {  	_ =	shalt  }
0x7e: {  	_ =	shalt  }
0x7f: {  	_ =	shalt  }
0x80: {  	_ =	shalt  }
0x81: {  	_ =	shalt  }
0x82: {  	_ =	shalt  }
0x83: {  	_ =	shalt  }
0x84: {  	_ =	shalt  }
0x85: {  	_ =	shalt  }
0x86: {  	_ =	shalt  }
0x87: {  	_ =	shalt  }
.Lfunc_end0:
.L_simem_size_0:
called_computation.2_lowered:
.L_overlay_start_0:
0x88: {  	s2 =	sld [smem:$0x3FD9]  }
0x89: {  	s3 =	sld [smem:$0x3FFE];
	_ =	sdelay $0x1  }
0x8a: {  	s1 =	srdreg.scid  }
0x8b: {  	s0 =	sand.u32 $0x1, s1  }
0x8c: {  	s17 =	sshll.u32 s0, $0xA;
	s2 =	sadd.s32 s3, s2  }
0x8d: {  	s2 =	sadd.s32 s2, s17  }
0x8e: {  	[smem:$0x3FBD] =	sst s2  }
0x8f: {  	_ = 	snop  }
0x90: {  	s2 =	sld [smem:$0x3FD0];
	(tm) =	ssettm $0x1  }
0x91: {  	s18 =	sld [smem:$0x3FFB];
	_ =	sdelay $0x3  }
0x92: {  	_ =	strace s18  }
0x93: {  	s3 =	sld [smem:$0x3FFC];
	_ =	sdelay $0x3  }
0x94: {  	_ =	strace s3  }
0x95: {  	s3 =	sld [smem:$0x3FFD];
	_ =	sdelay $0x3  }
0x96: {  	_ =	strace s3  }
0x97: {  	_ =	strace $0x8FFFFFFF  }
0x98: {  	s19 =	sld [smem:$0x3FDB];
	_ =	sdelay $0x1  }
0x99: {  	s4 =	simm.s32 $_scs_section_size  }
0x9a: {  	s5 =	simm.s32 $_size__tile_overlayer_lowered;
	s6 =	simm.s32 $_tile_overlayer_lowered  }
0x9b: {  	s22 =	simm.s32 $0x1BFF;
	s21 =	sshll.u32 s6, $0x1;
	s3 =	sadd.s32 s4, s19  }
0x9c: {  	s7 =	simm.s32 $0x0;
	s20 =	sshll.u32 s5, $0x1;
	s5 =	sadd.s32 s21, s3  }
0x9d: {  	[timem:s7], [sflag:s22] =	dma.local [hbm:s5], s20  }
0x9e: {  	_ =	swait.ge [sflag:s22], s20  }
0x9f: {  	s4 =	ssub.s32 $0x0, s20;
	[sflag:s22] =	ssyncset.done $0x0  }
0xa0: {  	[sflag:s22] =	ssyncadd.s32 s4;
	_ =	sdelay $0x1  }
0xa1: {  	s23 =	simm.s32 $0x1B8B  }
0xa2: {  	_ =	swait.ge [sflag:s23], $0x1  }
0xa3: {  	[sflag:s23] =	ssyncset.done $0x0  }
0xa4: {  	s25 =	simm.s32 $0x1B8E;
	s24 =	sld [smem:$0x3FFE];
	[sflag:s23] =	ssyncadd.s32 $0xFFFFFFFF  }
0xa5: {  	s26 =	simm.s32 $execute0_lowered;
	[smem:$0x3FD2] =	sst s25  }
0xa6: {  	s5 =	sshll.u32 s26, $0x1;
	_ =	strace $0x8000004C;
	[dreg:$0x1] =	wrdreg $0xFFFFFFFF  }
0xa7: {  	s28 =	simm.s32 $_size_execute0_lowered;
	s3 =	sadd.s32 s3, s5;
	[dreg:$0x0] =	wrdreg $0x0  }
0xa8: {  	s5 =	sshll.u32 s28, $0x1;
	[dreg:$0x2] =	wrdreg s3  }
0xa9: {  	[dreg:$0x3] =	wrdreg s5  }
0xaa: {  	[dreg:$0x4] =	wrdreg $0xC0  }
0xab: {  	_ =	task [dreg:s7], $0x5FFFF  }
0xac: {  	[dreg:$0x1] =	wrdreg $0xFFFFFFFF  }
0xad: {  	[dreg:$0x0] =	wrdreg $0x60  }
0xae: {  	[dreg:$0x2] =	wrdreg s24  }
0xaf: {  	[dreg:$0x3] =	wrdreg s2  }
0xb0: {  	[dreg:$0x4] =	wrdreg $0x3000  }
0xb1: {  	[dreg:$0x5] =	wrdreg $0x9  }
0xb2: {  	_ =	task.clear_ibuf [dreg:s7], $0x6FFFF;
	_ =	strace $0x9000004C  }
0xb3: {  	s29 =	simm.s32 $0x9;
	_ =	strace $0x8000004E  }
0xb4: {  	_ =	swait.ge [sflag:s29], $0x1  }
0xb5: {  	[sflag:s29] =	ssyncadd.s32 $0xFFFFFFFF  }
0xb6: {  	_ =	strace $0x9000004E  }
0xb7: {  	_ =	sfence  }
0xb8: {  	s30 =	sld [smem:$0x0];
	_ =	sdelay $0x2  }
0xb9: {  	s31 =	sshll.u32 s1, $0xD;
	s1 =	sshrl.u32 s1, $0x2  }
0xba: {  	s3 =	sand.u32 $0x4000, s31;
	s1 =	sadd.s32 s1, s30  }
0xbb: {  	s0 =	sor.u32 s3, s0;
	s1 =	sshll.u32 s1, $0x11  }
0xbc: {  	s0 =	sor.u32 s1, s0  }
0xbd: {  	s0 =	sadd.s32 $0x8F2B, s0  }
0xbe: {  	[sflag:s0] =	ssyncadd.remote.s32 $0x1  }
0xbf: {  	_ =	sfence.sel $0xFFFF  }
0xc0: {  	[dreg:$0x0] =	wrdreg $0xFFFFFFFF;
	(pc) =	sbr.abs _section_cstart, $3  }
0xc1: {  	[dreg:$0x1] =	wrdreg $0xFFFFFFFF  }
0xc2: {  	_ =	task.clear_ibuf [dreg:s7], $0x2FFFF;
	_ =	strace $0x9FFFFFFF  }
0xc3: {  	(tm) =	ssettm $0x7FFFFFFF  }
tec
execute0_lowered:
.L_overlay_start_1:
0x0: {  	(tag) =	ssettag $0x1  }
0x1: {  	s6 =	rddreg [dreg:$0x0]  }
0x2: {  	s1 =	rddreg [dreg:$0x1]  }
0x3: {  	s3 =	rddreg [dreg:$0x2]  }
0x4: {  	s0 =	rddreg [dreg:$0x3];
	s4 =	simm.s32 $0x0;
	s5 =	srdreg.scid  }
0x5: {  	s2 =	stileid.u32;
	s17 =	simm.s32 $0x100;
	s18 =	simm.s32 $0x3  }
0x6: {  	s19 =	simm.s32 $0x80;
	s20 =	simm.s32 $0x200;
	s21 =	simm.s32 $0x1  }
0x7: {  	s22 =	simm.s32 $0x4;
	s23 =	simm.s32 $0x280;
	s24 =	simm.s32 $0x2  }
0x8: {  	s25 =	simm.s32 $0x180;
	s26 =	simm.s32 $0x0;
	[smem:$0x7FF] =	sst s4  }
0x9: {  	s7 =	sand.u32 $0x1, s5;
	s8 =	smul.u32 $0x280, s2;
	s5 =	sadd.s32 $0x3F400, s6  }
0xa: {  	s14 =	sadd.s32 $0x2B400, s6;
	s29 =	sshll.u32 s2, $0x6;
	s31 =	smul.u32 $0x5000, s2  }
0xb: {  	_ =	strace $0x8000004D;
	s9 =	smul.u32 $0x2800, s7;
	s10 =	sshll.u32 s7, $0x4  }
0xc: {  	s11 =	ssub.s32 $0x2, s7;
	s28 =	smul.u32 $0x50000, s7;
	s10 =	sor.u32 s2, s10  }
0xd: {  	s12 =	sshrl.u32 s11, $0x1;
	s15 =	sadd.s32 s8, s3;
	s9 =	sadd.s32 s8, s9  }
0xe: {  	s10 =	smul.u32 $0x5000, s10;
	s11 =	ssub.s32 s11, s12;
	s12 =	sadd.s32 s31, s28  }
0xf: {  	s15 =	sshrl.u32 s15, $0x3;
	s9 =	sshrl.u32 s9, $0x3;
	s13 =	sor.u32 $0x200, s12  }
0x10: {  	s12 =	sor.u32 $0x300, s12;
	s9 =	sadd.s32 s9, s6;
	s30 =	sshrl.u32 s10, $0x3  }
0x11: {  	s6 =	sor.u32 $0x1C05, s29;
	s10 =	smax.u32 s11, $0x1;
	s13 =	sshrl.u32 s13, $0x3  }
0x12: {  	s16 =	sshrl.u32 s12, $0x3;
	s7 =	sadd.s32 s14, s30;
	s9 =	sadd.s32 $0x3FA00, s9  }
0x13: {  	s13 =	sadd.s32 s13, s14;
	s14 =	sadd.s32 s16, s14;
	s16 =	simm.s32 $0x5  }
0x14: {  	s8 =	sadd.s32 $0x20, s7;
	s11 =	sadd.s32 $0x9E0, s7;
	s12 =	sadd.s32 $0x9C0, s7  }
.LBB2_1:
0x15: {  	[spmem:s15], [sflag:s6] =	dma.local [hbm:s1], $0x50  }
0x16: {  	_ =	swait.ge [sflag:s16], $0x50  }
0x17: {  	[sflag:s16] =	ssyncset.done $0x0  }
0x18: {  	[sflag:s16] =	ssyncadd.s32 $0xFFFFFFB0  }
0x19: {  	[bflag:$0x0] =	sbarrier.arrive $0xFFFF  }
0x1a: {  	[tilespmem:s4], [sflag:$0x3] =	stream.linear.gather [hbm4b:s7+s4], $0x100, $0x38;
	[tilespmem:$0x580] =	vst v63  }
0x1b: {  	_ = 	snop  }
0x1c: {  	[tilespmem:s17], [sflag:$0x4] =	stream.linear.gather [hbm4b:s8+s4], $0x100, $0x38;
	[tilespmem:$0x580] =	vst v63  }
0x1d: {  	_ =	swait.ge [sflag:s18], $0x100  }
0x1e: {  	[sflag:s18] =	ssyncset.done $0x0  }
0x1f: {  	[sflag:s18] =	ssyncadd.s32 $0xFFFFFF00  }
0x20: {  	[tilespmem:s20], [sflag:$0x1] =	stream.indirect.gather [hbm4b:s5+s19], $0x1, s4, s19, $0xb8;
	[tilespmem:$0x580] =	vst v63  }
0x21: {  	_ =	swait.ge [sflag:s21], $0x80  }
0x22: {  	[sflag:s21] =	ssyncset.done $0x0  }
0x23: {  	[sflag:s21] =	ssyncadd.s32 $0xFFFFFF80  }
0x24: {  	_ =	swait.ge [sflag:s22], $0x100  }
0x25: {  	[sflag:s22] =	ssyncset.done $0x0  }
0x26: {  	[sflag:s22] =	ssyncadd.s32 $0xFFFFFF00  }
0x27: {  	[tilespmem:s23], [sflag:$0x2] =	stream.indirect.gather [hbm4b:s5+s19], $0x1, s17, s19, $0xb8;
	[tilespmem:$0x580] =	vst v63  }
0x28: {  	_ = 	snop  }
0x29: {  	[spmem:s3] =	stream.indirect.scatter.add.f32 [tilespmem:s20], [sflag:$0x5], $0x1, s19, s19, $0xb8;
	[tilespmem:$0x580] =	vst v63  }
0x2a: {  	_ =	swait.ge [sflag:s16], $0x80  }
0x2b: {  	[sflag:s16] =	ssyncset.done $0x0  }
0x2c: {  	s28 =	sadd.s32 $0x0, s13;
	[sflag:s16] =	ssyncadd.s32 $0xFFFFFF80  }
0x2d: {  	[tilespmem:s4], [sflag:$0x3] =	stream.linear.gather [hbm4b:s28+s4], $0x100, $0x38;
	[tilespmem:$0x580] =	vst v63  }
0x2e: {  	_ =	swait.ge [sflag:s24], $0x80  }
0x2f: {  	[sflag:s24] =	ssyncset.done $0x0  }
0x30: {  	[sflag:s24] =	ssyncadd.s32 $0xFFFFFF80  }
0x31: {  	_ =	swait.ge [sflag:s18], $0x100  }
0x32: {  	[sflag:s18] =	ssyncset.done $0x0  }
0x33: {  	[sflag:s18] =	ssyncadd.s32 $0xFFFFFF00  }
0x34: {  	[tilespmem:s20], [sflag:$0x1] =	stream.indirect.gather [hbm4b:s5+s19], $0x1, s4, s19, $0xb8;
	[tilespmem:$0x580] =	vst v63  }
0x35: {  	_ = 	snop  }
0x36: {  	[spmem:s3] =	stream.indirect.scatter.add.f32 [tilespmem:s23], [sflag:$0x5], $0x1, s25, s19, $0xb8;
	[tilespmem:$0x580] =	vst v63  }
0x37: {  	_ =	swait.ge [sflag:s16], $0x80  }
0x38: {  	[sflag:s16] =	ssyncset.done $0x0  }
0x39: {  	s29 =	sadd.s32 $0x0, s14;
	s28 =	simm.s32 $0x40;
	[sflag:s16] =	ssyncadd.s32 $0xFFFFFF80  }
.LBB2_2:
0x3a: {  	[tilespmem:s17], [sflag:$0x4] =	stream.linear.gather [hbm4b:s29+s4], $0x100, $0x38;
	[tilespmem:$0x580] =	vst v63  }
0x3b: {  	s29 =	smov.u32 s28  }
0x3c: {  	p0 =	sne.s32 s28, $0x940;
	s28 =	sadd.s32 $0x40, s28;
	_ =	swait.ge [sflag:s21], $0x80  }
0x3d: {  	[sflag:s21] =	ssyncset.done $0x0  }
0x3e: {  	[sflag:s21] =	ssyncadd.s32 $0xFFFFFF80  }
0x3f: {  	_ =	swait.ge [sflag:s22], $0x100  }
0x40: {  	[sflag:s22] =	ssyncset.done $0x0  }
0x41: {  	[sflag:s22] =	ssyncadd.s32 $0xFFFFFF00  }
0x42: {  	[tilespmem:s23], [sflag:$0x2] =	stream.indirect.gather [hbm4b:s5+s19], $0x1, s17, s19, $0xb8;
	[tilespmem:$0x580] =	vst v63  }
0x43: {  	_ = 	snop  }
0x44: {  	[spmem:s3] =	stream.indirect.scatter.add.f32 [tilespmem:s20], [sflag:$0x5], $0x1, s19, s19, $0xb8;
	[tilespmem:$0x580] =	vst v63  }
0x45: {  	_ =	swait.ge [sflag:s16], $0x80  }
0x46: {  	[sflag:s16] =	ssyncset.done $0x0  }
0x47: {  	s30 =	sadd.s32 s29, s13;
	[sflag:s16] =	ssyncadd.s32 $0xFFFFFF80  }
0x48: {  	[tilespmem:s4], [sflag:$0x3] =	stream.linear.gather [hbm4b:s30+s4], $0x100, $0x38;
	[tilespmem:$0x580] =	vst v63  }
0x49: {  	_ =	swait.ge [sflag:s24], $0x80  }
0x4a: {  	[sflag:s24] =	ssyncset.done $0x0  }
0x4b: {  	[sflag:s24] =	ssyncadd.s32 $0xFFFFFF80  }
0x4c: {  	_ =	swait.ge [sflag:s18], $0x100  }
0x4d: {  	[sflag:s18] =	ssyncset.done $0x0  }
0x4e: {  	[sflag:s18] =	ssyncadd.s32 $0xFFFFFF00  }
0x4f: {  	[tilespmem:s20], [sflag:$0x1] =	stream.indirect.gather [hbm4b:s5+s19], $0x1, s4, s19, $0xb8;
	[tilespmem:$0x580] =	vst v63  }
.Ltmp0:
0x50: {  	(pc) =	sbr.rel @p0 .LBB2_2-.Ltmp0, $4  }
0x51: {  	[spmem:s3] =	stream.indirect.scatter.add.f32 [tilespmem:s23], [sflag:$0x5], $0x1, s25, s19, $0xb8;
	[tilespmem:$0x580] =	vst v63  }
0x52: {  	_ =	swait.ge [sflag:s16], $0x80  }
0x53: {  	[sflag:s16] =	ssyncset.done $0x0  }
0x54: {  	s29 =	sadd.s32 s29, s14;
	[sflag:s16] =	ssyncadd.s32 $0xFFFFFF80  }
0x55: {  	[tilespmem:s17], [sflag:$0x4] =	stream.linear.gather [hbm4b:s29+s4], $0x100, $0x38;
	[tilespmem:$0x580] =	vst v63  }
0x56: {  	_ =	swait.ge [sflag:s21], $0x80  }
0x57: {  	[sflag:s21] =	ssyncset.done $0x0  }
0x58: {  	[sflag:s21] =	ssyncadd.s32 $0xFFFFFF80  }
0x59: {  	_ =	swait.ge [sflag:s22], $0x100  }
0x5a: {  	[sflag:s22] =	ssyncset.done $0x0  }
0x5b: {  	[sflag:s22] =	ssyncadd.s32 $0xFFFFFF00  }
0x5c: {  	[tilespmem:s23], [sflag:$0x2] =	stream.indirect.gather [hbm4b:s5+s19], $0x1, s17, s19, $0xb8;
	[tilespmem:$0x580] =	vst v63  }
0x5d: {  	_ = 	snop  }
0x5e: {  	[spmem:s3] =	stream.indirect.scatter.add.f32 [tilespmem:s20], [sflag:$0x5], $0x1, s19, s19, $0xb8;
	[tilespmem:$0x580] =	vst v63  }
0x5f: {  	_ =	swait.ge [sflag:s16], $0x80  }
0x60: {  	[sflag:s16] =	ssyncset.done $0x0  }
0x61: {  	[sflag:s16] =	ssyncadd.s32 $0xFFFFFF80  }
0x62: {  	[tilespmem:s4], [sflag:$0x3] =	stream.linear.gather [hbm4b:s12+s4], $0x100, $0x38;
	[tilespmem:$0x580] =	vst v63  }
0x63: {  	_ =	swait.ge [sflag:s24], $0x80  }
0x64: {  	[sflag:s24] =	ssyncset.done $0x0  }
0x65: {  	[sflag:s24] =	ssyncadd.s32 $0xFFFFFF80  }
0x66: {  	_ =	swait.ge [sflag:s18], $0x100  }
0x67: {  	[sflag:s18] =	ssyncset.done $0x0  }
0x68: {  	[sflag:s18] =	ssyncadd.s32 $0xFFFFFF00  }
0x69: {  	[tilespmem:s20], [sflag:$0x1] =	stream.indirect.gather [hbm4b:s5+s19], $0x1, s4, s19, $0xb8;
	[tilespmem:$0x580] =	vst v63  }
0x6a: {  	_ = 	snop  }
0x6b: {  	[spmem:s3] =	stream.indirect.scatter.add.f32 [tilespmem:s23], [sflag:$0x5], $0x1, s25, s19, $0xb8;
	[tilespmem:$0x580] =	vst v63  }
0x6c: {  	_ =	swait.ge [sflag:s16], $0x80  }
0x6d: {  	[sflag:s16] =	ssyncset.done $0x0  }
0x6e: {  	[sflag:s16] =	ssyncadd.s32 $0xFFFFFF80  }
0x6f: {  	[tilespmem:s17], [sflag:$0x4] =	stream.linear.gather [hbm4b:s11+s4], $0x100, $0x38;
	[tilespmem:$0x580] =	vst v63  }
0x70: {  	_ =	swait.ge [sflag:s21], $0x80  }
0x71: {  	[sflag:s21] =	ssyncset.done $0x0  }
0x72: {  	[sflag:s21] =	ssyncadd.s32 $0xFFFFFF80  }
0x73: {  	_ =	swait.ge [sflag:s22], $0x100  }
0x74: {  	[sflag:s22] =	ssyncset.done $0x0  }
0x75: {  	[sflag:s22] =	ssyncadd.s32 $0xFFFFFF00  }
0x76: {  	[tilespmem:s23], [sflag:$0x2] =	stream.indirect.gather [hbm4b:s5+s19], $0x1, s17, s19, $0xb8;
	[tilespmem:$0x580] =	vst v63  }
0x77: {  	_ = 	snop  }
0x78: {  	[spmem:s3] =	stream.indirect.scatter.add.f32 [tilespmem:s20], [sflag:$0x5], $0x1, s19, s19, $0xb8;
	[tilespmem:$0x580] =	vst v63  }
0x79: {  	_ =	swait.ge [sflag:s16], $0x80  }
0x7a: {  	[sflag:s16] =	ssyncset.done $0x0  }
0x7b: {  	[sflag:s16] =	ssyncadd.s32 $0xFFFFFF80  }
0x7c: {  	[tilespmem:s4], [sflag:$0x3] =	stream.linear.gather [hbm4b:s11+s4], $0x100, $0x38;
	[tilespmem:$0x580] =	vst v63  }
0x7d: {  	_ =	swait.ge [sflag:s24], $0x80  }
0x7e: {  	[sflag:s24] =	ssyncset.done $0x0  }
0x7f: {  	[sflag:s24] =	ssyncadd.s32 $0xFFFFFF80  }
0x80: {  	_ =	swait.ge [sflag:s18], $0x100  }
0x81: {  	[sflag:s18] =	ssyncset.done $0x0  }
0x82: {  	[sflag:s18] =	ssyncadd.s32 $0xFFFFFF00  }
0x83: {  	[tilespmem:s20], [sflag:$0x1] =	stream.indirect.gather [hbm4b:s5+s19], $0x1, s4, s19, $0xb8;
	[tilespmem:$0x580] =	vst v63  }
0x84: {  	_ = 	snop  }
0x85: {  	[spmem:s3] =	stream.indirect.scatter.add.f32 [tilespmem:s23], [sflag:$0x5], $0x1, s25, s19, $0xb8;
	[tilespmem:$0x580] =	vst v63  }
0x86: {  	_ =	swait.ge [sflag:s16], $0x80  }
0x87: {  	[sflag:s16] =	ssyncset.done $0x0  }
0x88: {  	[sflag:s16] =	ssyncadd.s32 $0xFFFFFF80  }
0x89: {  	[tilespmem:s17], [sflag:$0x4] =	stream.linear.gather [hbm4b:s11+s4], $0x100, $0x38;
	[tilespmem:$0x580] =	vst v63  }
0x8a: {  	_ =	swait.ge [sflag:s21], $0x80  }
0x8b: {  	[sflag:s21] =	ssyncset.done $0x0  }
0x8c: {  	[sflag:s21] =	ssyncadd.s32 $0xFFFFFF80  }
0x8d: {  	_ =	swait.ge [sflag:s22], $0x100  }
0x8e: {  	s26 =	sadd.s32 $0x1, s26;
	[sflag:s22] =	ssyncset.done $0x0  }
0x8f: {  	p0 =	sne.s32 s26, s10;
	[sflag:s22] =	ssyncadd.s32 $0xFFFFFF00  }
.Ltmp1:
0x90: {  	[bflag:$0x0] =	sbarrier.arrive $0xFFFF;
	(pc) =	sbr.rel @p0 .LBB2_1-.Ltmp1, $4  }
0x91: {  	[hbm:s9], [sflag:s6] =	dma.local [spmem:s15], $0x50  }
0x92: {  	_ =	swait.ge [sflag:s16], $0x50  }
0x93: {  	[sflag:s16] =	ssyncset.done $0x0  }
0x94: {  	[sflag:s16] =	ssyncadd.s32 $0xFFFFFFB0  }
0x95: {  	_ =	sfence.sel $0x180000  }
0x96: {  	[bflag:$0x0] =	sbarrier.arrive $0xFFFF  }
0x97: {  	p0 =	sne.s32 s2, $0x0;
	_ =	strace $0x9000004D  }
0x98: {  	s0 =	sadd.s32 @!p0 $0x100000, s0;
	[bflag:$0x2] =	sbarrier.arrive $0xFFFF  }
0x99: {  	[sflag:s0] =	ssyncadd.tile.s32 @!p0 $0x1;
	_ =	shalt  }
.Lfunc_end2:
_tile_overlayer_lowered:
.L_overlay_start_2:
0x9a: {  	(tag) =	ssettag $0x2  }
0x9b: {  	s0 =	rddreg [dreg:$0x0];
	s2 =	stileid.u32  }
0x9c: {  	s1 =	rddreg [dreg:$0x1];
	p0 =	sne.s32 s2, $0x0  }
0x9d: {  	s3 =	rddreg [dreg:$0x2];
	[bflag:$0x3] =	sbarrier.arrive $0xFFFF;
	s2 =	simm.s32 @!p0 $0x1C05  }
0x9e: {  	[timem:s3], [sflag:s2] =	dma.local @!p0 [hbm:s0], s1  }
0x9f: {  	s0 =	simm.s32 @!p0 $0x5  }
0xa0: {  	_ =	swait.ge @!p0 [sflag:s0], s1  }
0xa1: {  	s1 =	ssub.s32 @!p0 $0x0, s1;
	[sflag:s0] =	ssyncset.done @!p0 $0x0  }
0xa2: {  	[sflag:s0] =	ssyncadd.s32 @!p0 s1  }
0xa3: {  	[bflag:$0x3] =	sbarrier.arrive $0xFFFF  }
0xa4: {  	_ =	shalt  }

// kernel: kernel.8.cloned.1.call-start
scs
__scs_entry_jumppad:
0x0: {  	(pc) =	sbr.rel $0x88, $3  }
0x1: {  	(tag) =	ssettag $0x0;
	lr =	simm.s32 $0x1  }
0x2: {  	[smem:$0x3F96] =	sst lr;
	_ =	strace $0xD0000000  }
0x3: {  	_ = 	snop  }
0x4: {  	_ = 	snop  }
0x5: {  	_ = 	snop  }
0x6: {  	_ = 	snop  }
0x7: {  	_ = 	snop  }
__scs_overlays_trampoline_lowered:
0x8: {  	[smem:$0x3FA5] =	sst s0  }
0x9: {  	[smem:$0x3FA6] =	sst s1  }
0xa: {  	[smem:$0x3FA7] =	sst s2  }
0xb: {  	[smem:$0x3FA8] =	sst s3  }
0xc: {  	[smem:$0x3FA9] =	sst s4  }
0xd: {  	[smem:$0x3FAA] =	sst s5  }
0xe: {  	[smem:$0x3FAB] =	sst s6  }
0xf: {  	[smem:$0x3FAC] =	sst s7  }
0x10: {  	[smem:$0x3FAD] =	sst s8  }
0x11: {  	[smem:$0x3FAE] =	sst s9;
	s0 =	simm.s32 @!p0 $0x0  }
0x12: {  	s1 =	sld [smem:$0x3F94];
	s0 =	simm.s32 @p0 $0x1  }
0x13: {  	[smem:$0x3FAF] =	sst s0;
	s0 =	simm.s32 @!p1 $0x0  }
0x14: {  	s2 =	sld [smem:$0x3F93];
	s0 =	simm.s32 @p1 $0x1  }
0x15: {  	[smem:$0x3FB0] =	sst s0;
	s0 =	simm.s32 @!p2 $0x0  }
0x16: {  	s3 =	sld [smem:$0x3FDB];
	s0 =	simm.s32 @p2 $0x1  }
0x17: {  	s4 =	simm.s32 $0x1BF5;
	[smem:$0x3FB2] =	sst s0  }
0x18: {  	s0 =	sld [smem:$0x3F95];
	_ =	swait.ge [sflag:s4], $0x0  }
0x19: {  	s7 =	sld [smem:$0x3F96]  }
0x1a: {  	s8 =	sadd.s32 $0xFFFFE003, lr  }
0x1b: {  	s9 =	sadd.s32 $0xFFFFFEF7, lr;
	s5 =	simm.s32 $0xFFFFFFFF;
	p2 =	slt.u32 s8, $0xFFFFF086  }
0x1c: {  	p1 =	slt.u32 s9, $0xF7A;
	s5 =	simm.s32 @!p2 $0x0  }
0x1d: {  	s5 =	simm.s32 @p1 $0x1;
	p0 =	seq.s32 s7, s2  }
0x1e: {  	s7 =	smul.u32 @!p0 $0xF7A, s2;
	p2 =	seq.s32 @!p0 s5, $0x0  }
0x1f: {  	s9 =	smul.u32 $0xF7A, s1;
	s8 =	simm.s32 @!p0 $0x1BF5;
	p2 =	por !p2, p0  }
0x20: {  	[sflag:s8] =	ssyncset.s32 @!p0 $0xFFFFF086;
	s6 =	sadd.s32 @!p0 s3, s7;
	s7 =	simm.s32 @!p0 $0x108  }
0x21: {  	s3 =	sadd.s32 s3, s9;
	s6 =	sadd.s32 @!p0 $0x88, s6;
	s7 =	simm.s32 @p2 $0x1082  }
0x22: {  	[simem:s7], [sflag:s8] =	dma.local @!p0 [hbm:s6], $0xF7A  }
0x23: {  	s9 =	sor.u32 $0xD0000000, s2;
	s6 =	simm.s32 $0x108;
	_ =	swait.ge @!p0 [sflag:s8], $0x0  }
0x24: {  	s3 =	sadd.s32 $0x88, s3;
	s6 =	simm.s32 @!p1 $0x1082;
	[sflag:s4] =	ssyncset.s32 $0xFFFFF086  }
0x25: {  	[simem:s6], [sflag:s4] =	dma.local [hbm:s3], $0xF7A  }
0x26: {  	[smem:$0x3F96] =	sst s1;
	(tag) =	ssettag s2;
	_ =	strace s9  }
0x27: {  	s1 =	sld [smem:$0x3FA6]  }
0x28: {  	s2 =	sld [smem:$0x3FA7]  }
0x29: {  	s4 =	sld [smem:$0x3FA9]  }
0x2a: {  	p0 =	seq.s32 s5, $0x0;
	s5 =	sld [smem:$0x3FAA]  }
0x2b: {  	s6 =	sld [smem:$0x3FAB]  }
0x2c: {  	s7 =	sld [smem:$0x3FAC]  }
0x2d: {  	s3 =	simm.s32 $0x108;
	s8 =	sld [smem:$0x3FAD]  }
0x2e: {  	s3 =	simm.s32 @!p0 $0x1082;
	s9 =	sld [smem:$0x3FAE]  }
0x2f: {  	lr =	sadd.s32 s0, s3;
	s0 =	sld [smem:$0x3FA5]  }
0x30: {  	s3 =	sld [smem:$0x3FA8]  }
0x31: {  	[smem:$0x3FB1] =	sst s10  }
0x32: {  	s10 =	sld [smem:$0x3FAF];
	_ =	sdelay $0x3  }
0x33: {  	p0 =	seq.s32 s10, $0x1;
	s10 =	sld [smem:$0x3FB1];
	_ =	sdelay $0x3  }
0x34: {  	[smem:$0x3FB1] =	sst s10  }
0x35: {  	s10 =	sld [smem:$0x3FB0];
	_ =	sdelay $0x3  }
0x36: {  	p1 =	seq.s32 s10, $0x1;
	s10 =	sld [smem:$0x3FB1];
	_ =	sdelay $0x3  }
0x37: {  	[smem:$0x3FB1] =	sst s10  }
0x38: {  	s10 =	sld [smem:$0x3FB2]  }
0x39: {  	_ = 	snop;
	(pc) =	sbr.ind lr, $3  }
0x3a: {  	_ = 	snop  }
0x3b: {  	_ = 	snop  }
0x3c: {  	p2 =	seq.s32 s10, $0x1;
	s10 =	sld [smem:$0x3FB1]  }
0x3d: {  	_ =	shalt  }
0x3e: {  	_ =	shalt  }
0x3f: {  	_ =	shalt  }
0x40: {  	_ =	shalt  }
0x41: {  	_ =	shalt  }
0x42: {  	_ =	shalt  }
0x43: {  	_ =	shalt  }
0x44: {  	_ =	shalt  }
0x45: {  	_ =	shalt  }
0x46: {  	_ =	shalt  }
0x47: {  	_ =	shalt  }
0x48: {  	_ =	shalt  }
0x49: {  	_ =	shalt  }
0x4a: {  	_ =	shalt  }
0x4b: {  	_ =	shalt  }
0x4c: {  	_ =	shalt  }
0x4d: {  	_ =	shalt  }
0x4e: {  	_ =	shalt  }
0x4f: {  	_ =	shalt  }
0x50: {  	_ =	shalt  }
0x51: {  	_ =	shalt  }
0x52: {  	_ =	shalt  }
0x53: {  	_ =	shalt  }
0x54: {  	_ =	shalt  }
0x55: {  	_ =	shalt  }
0x56: {  	_ =	shalt  }
0x57: {  	_ =	shalt  }
0x58: {  	_ =	shalt  }
0x59: {  	_ =	shalt  }
0x5a: {  	_ =	shalt  }
0x5b: {  	_ =	shalt  }
0x5c: {  	_ =	shalt  }
0x5d: {  	_ =	shalt  }
0x5e: {  	_ =	shalt  }
0x5f: {  	_ =	shalt  }
0x60: {  	_ =	shalt  }
0x61: {  	_ =	shalt  }
0x62: {  	_ =	shalt  }
0x63: {  	_ =	shalt  }
0x64: {  	_ =	shalt  }
0x65: {  	_ =	shalt  }
0x66: {  	_ =	shalt  }
0x67: {  	_ =	shalt  }
0x68: {  	_ =	shalt  }
0x69: {  	_ =	shalt  }
0x6a: {  	_ =	shalt  }
0x6b: {  	_ =	shalt  }
0x6c: {  	_ =	shalt  }
0x6d: {  	_ =	shalt  }
0x6e: {  	_ =	shalt  }
0x6f: {  	_ =	shalt  }
0x70: {  	_ =	shalt  }
0x71: {  	_ =	shalt  }
0x72: {  	_ =	shalt  }
0x73: {  	_ =	shalt  }
0x74: {  	_ =	shalt  }
0x75: {  	_ =	shalt  }
0x76: {  	_ =	shalt  }
0x77: {  	_ =	shalt  }
0x78: {  	_ =	shalt  }
0x79: {  	_ =	shalt  }
0x7a: {  	_ =	shalt  }
0x7b: {  	_ =	shalt  }
0x7c: {  	_ =	shalt  }
0x7d: {  	_ =	shalt  }
0x7e: {  	_ =	shalt  }
0x7f: {  	_ =	shalt  }
0x80: {  	_ =	shalt  }
0x81: {  	_ =	shalt  }
0x82: {  	_ =	shalt  }
0x83: {  	_ =	shalt  }
0x84: {  	_ =	shalt  }
0x85: {  	_ =	shalt  }
0x86: {  	_ =	shalt  }
0x87: {  	_ =	shalt  }
.Lfunc_end0:
.L_simem_size_0:
called_computation_lowered:
.L_overlay_start_0:
0x88: {  	s2 =	sld [smem:$0x3FD9]  }
0x89: {  	s3 =	sld [smem:$0x3FFE];
	_ =	sdelay $0x1  }
0x8a: {  	s1 =	srdreg.scid  }
0x8b: {  	s0 =	sand.u32 $0x1, s1  }
0x8c: {  	s17 =	sshll.u32 s0, $0xA;
	s2 =	sadd.s32 s3, s2  }
0x8d: {  	s2 =	sadd.s32 s2, s17  }
0x8e: {  	[smem:$0x3FBD] =	sst s2  }
0x8f: {  	_ = 	snop  }
0x90: {  	s2 =	sld [smem:$0x3FD0];
	(tm) =	ssettm $0x1  }
0x91: {  	s18 =	sld [smem:$0x3FFB];
	_ =	sdelay $0x3  }
0x92: {  	_ =	strace s18  }
0x93: {  	s3 =	sld [smem:$0x3FFC];
	_ =	sdelay $0x3  }
0x94: {  	_ =	strace s3  }
0x95: {  	s3 =	sld [smem:$0x3FFD];
	_ =	sdelay $0x3  }
0x96: {  	_ =	strace s3  }
0x97: {  	_ =	strace $0x8FFFFFFF  }
0x98: {  	s19 =	sld [smem:$0x3FDB];
	_ =	sdelay $0x1  }
0x99: {  	s4 =	simm.s32 $_scs_section_size  }
0x9a: {  	s5 =	simm.s32 $_size__tile_overlayer_lowered;
	s6 =	simm.s32 $_tile_overlayer_lowered  }
0x9b: {  	s22 =	simm.s32 $0x1BFF;
	s21 =	sshll.u32 s6, $0x1;
	s3 =	sadd.s32 s4, s19  }
0x9c: {  	s7 =	simm.s32 $0x0;
	s20 =	sshll.u32 s5, $0x1;
	s5 =	sadd.s32 s21, s3  }
0x9d: {  	[timem:s7], [sflag:s22] =	dma.local [hbm:s5], s20  }
0x9e: {  	_ =	swait.ge [sflag:s22], s20  }
0x9f: {  	s4 =	ssub.s32 $0x0, s20;
	[sflag:s22] =	ssyncset.done $0x0  }
0xa0: {  	[sflag:s22] =	ssyncadd.s32 s4;
	_ =	sdelay $0x1  }
0xa1: {  	s23 =	simm.s32 $0x1B8B  }
0xa2: {  	_ =	swait.ge [sflag:s23], $0x1  }
0xa3: {  	[sflag:s23] =	ssyncset.done $0x0  }
0xa4: {  	s25 =	simm.s32 $0x1B8E;
	s24 =	sld [smem:$0x3FFE];
	[sflag:s23] =	ssyncadd.s32 $0xFFFFFFFF  }
0xa5: {  	s26 =	simm.s32 $execute0_lowered;
	[smem:$0x3FD2] =	sst s25  }
0xa6: {  	s5 =	sshll.u32 s26, $0x1;
	_ =	strace $0x80000046;
	[dreg:$0x1] =	wrdreg $0xFFFFFFFF  }
0xa7: {  	s28 =	simm.s32 $_size_execute0_lowered;
	s3 =	sadd.s32 s3, s5;
	[dreg:$0x0] =	wrdreg $0x0  }
0xa8: {  	s5 =	sshll.u32 s28, $0x1;
	[dreg:$0x2] =	wrdreg s3  }
0xa9: {  	[dreg:$0x3] =	wrdreg s5  }
0xaa: {  	[dreg:$0x4] =	wrdreg $0xC0  }
0xab: {  	_ =	task [dreg:s7], $0x5FFFF  }
0xac: {  	[dreg:$0x1] =	wrdreg $0xFFFFFFFF  }
0xad: {  	[dreg:$0x0] =	wrdreg $0x60  }
0xae: {  	[dreg:$0x2] =	wrdreg s24  }
0xaf: {  	[dreg:$0x3] =	wrdreg s2  }
0xb0: {  	[dreg:$0x4] =	wrdreg $0x82000  }
0xb1: {  	[dreg:$0x5] =	wrdreg $0x1C2800  }
0xb2: {  	[dreg:$0x6] =	wrdreg $0x9  }
0xb3: {  	_ =	task.clear_ibuf [dreg:s7], $0x7FFFF;
	_ =	strace $0x90000046  }
0xb4: {  	s29 =	simm.s32 $0x9;
	_ =	strace $0x80000048  }
0xb5: {  	_ =	swait.ge [sflag:s29], $0x1  }
0xb6: {  	[sflag:s29] =	ssyncadd.s32 $0xFFFFFFFF  }
0xb7: {  	_ =	strace $0x90000048  }
0xb8: {  	_ =	sfence  }
0xb9: {  	s30 =	sld [smem:$0x0];
	_ =	sdelay $0x2  }
0xba: {  	s31 =	sshll.u32 s1, $0xD;
	s1 =	sshrl.u32 s1, $0x2  }
0xbb: {  	s3 =	sand.u32 $0x4000, s31;
	s1 =	sadd.s32 s1, s30  }
0xbc: {  	s0 =	sor.u32 s3, s0;
	s1 =	sshll.u32 s1, $0x11  }
0xbd: {  	s0 =	sor.u32 s1, s0  }
0xbe: {  	s0 =	sadd.s32 $0x8F2B, s0  }
0xbf: {  	[sflag:s0] =	ssyncadd.remote.s32 $0x1  }
0xc0: {  	_ =	sfence.sel $0xFFFF  }
0xc1: {  	[dreg:$0x0] =	wrdreg $0xFFFFFFFF;
	(pc) =	sbr.abs _section_cstart, $3  }
0xc2: {  	[dreg:$0x1] =	wrdreg $0xFFFFFFFF  }
0xc3: {  	_ =	task.clear_ibuf [dreg:s7], $0x2FFFF;
	_ =	strace $0x9FFFFFFF  }
0xc4: {  	(tm) =	ssettm $0x7FFFFFFF  }
0xc5: {  	_ =	shalt  }
tec
execute0_lowered:
.L_overlay_start_1:
0x0: {  	(tag) =	ssettag $0x1  }
0x1: {  	s0 =	rddreg [dreg:$0x0]  }
0x2: {  	s3 =	rddreg [dreg:$0x2];
	s1 =	srdreg.scid  }
0x3: {  	s8 =	stileid.u32;
	s4 =	rddreg [dreg:$0x3]  }
0x4: {  	s5 =	simm.s32 $0x0;
	s28 =	simm.s32 $0x1;
	s29 =	simm.s32 $0x4  }
0x5: {  	s30 =	simm.s32 $0x4200;
	s31 =	simm.s32 $0x2;
	s1 =	sand.u32 $0x1, s1  }
0x6: {  	s2 =	smul.u32 $0x280, s8;
	[smem:$0x7FF] =	sst s5;
	s18 =	sadd.s32 $0x2B400, s0  }
0x7: {  	s10 =	sadd.s32 $0x3F400, s0;
	s19 =	sadd.s32 $0x41C00, s0;
	s21 =	smul.u32 $0x50000, s8  }
0x8: {  	s13 =	smul.u32 $0x5000, s8;
	_ =	strace $0x80000047;
	[dreg:$0x5] =	wrdreg s10  }
0x9: {  	s23 =	sshll.u32 s8, $0x6;
	s6 =	smul.u32 $0x2800, s1;
	[dreg:$0x6] =	wrdreg s19  }
0xa: {  	s20 =	sshll.u32 s1, $0x4;
	s22 =	ssub.s32 $0x2, s1;
	s1 =	smul.u32 $0x50000, s1  }
0xb: {  	s11 =	sshrl.u32 s22, $0x1;
	s10 =	sshrl.u32 s21, $0x2;
	s7 =	sadd.s32 s2, s6  }
0xc: {  	s6 =	sadd.s32 $0x3400, s0;
	s19 =	sadd.s32 s10, s3;
	s2 =	sadd.s32 s2, s4  }
0xd: {  	s1 =	sadd.s32 s13, s1;
	s9 =	sshll.u32 s7, $0x4;
	s7 =	sshrl.u32 s7, $0x3  }
0xe: {  	s25 =	sor.u32 $0x200, s1;
	s1 =	sor.u32 $0x300, s1;
	s19 =	sshrl.u32 s19, $0x3  }
0xf: {  	s21 =	sshrl.u32 s2, $0x3;
	s2 =	simm.s32 $0x180;
	s12 =	sadd.s32 s9, s0  }
0x10: {  	s0 =	sadd.s32 s7, s0;
	s9 =	sor.u32 s8, s20;
	s7 =	ssub.s32 s22, s11  }
0x11: {  	s26 =	sshrl.u32 s1, $0x3;
	s20 =	simm.s32 $0x5;
	s22 =	simm.s32 $0x1C200  }
0x12: {  	s9 =	smul.u32 $0x5000, s9;
	s12 =	sadd.s32 $0x41E00, s12;
	s13 =	sadd.s32 $0x91E00, s0  }
0x13: {  	s14 =	smax.u32 s7, $0x1;
	s0 =	sshrl.u32 s25, $0x3;
	s25 =	simm.s32 $0x80  }
0x14: {  	s17 =	sadd.s32 s0, s18;
	s0 =	simm.s32 $0x0;
	s24 =	sshrl.u32 s9, $0x3  }
0x15: {  	s9 =	sor.u32 $0x1C05, s23;
	s23 =	simm.s32 $0x100;
	s10 =	sadd.s32 s18, s24  }
0x16: {  	s18 =	sadd.s32 s26, s18;
	s24 =	simm.s32 $0x3;
	s26 =	simm.s32 $0x200  }
0x17: {  	s11 =	sadd.s32 $0x20, s10;
	s15 =	sadd.s32 $0x9E0, s10;
	s16 =	sadd.s32 $0x9C0, s10  }
.LBB2_1:
0x18: {  	s1 =	rddreg [dreg:$0x5]  }
0x19: {  	[spmem:s19], [sflag:s9] =	dma.local [hbm:s1], $0x2800  }
0x1a: {  	_ =	swait.ge [sflag:s20], $0x2800  }
0x1b: {  	[sflag:s20] =	ssyncset.done $0x0  }
0x1c: {  	[sflag:s20] =	ssyncadd.s32 $0xFFFFD800  }
0x1d: {  	s8 =	rddreg [dreg:$0x1]  }
0x1e: {  	[spmem:s21], [sflag:s9] =	dma.local [hbm:s8], $0x50  }
0x1f: {  	_ =	swait.ge [sflag:s20], $0x50  }
0x20: {  	[sflag:s20] =	ssyncset.done $0x0  }
0x21: {  	s7 =	rddreg [dreg:$0x6];
	[sflag:s20] =	ssyncadd.s32 $0xFFFFFFB0  }
0x22: {  	[tilespmem:s22], [sflag:$0x5] =	stream.linear.gather [hbm4b:s7+s5], $0x80, $0x38;
	[tilespmem:$0x1C500] =	vst v63  }
0x23: {  	_ =	swait.ge [sflag:s20], $0x80  }
0x24: {  	[sflag:s20] =	ssyncset.done $0x0  }
0x25: {  	[sflag:s20] =	ssyncadd.s32 $0xFFFFFF80  }
0x26: {  	[bflag:$0x0] =	sbarrier.arrive $0xFFFF  }
0x27: {  	[tilespmem:s5], [sflag:$0x3] =	stream.linear.gather [hbm4b:s10+s5], $0x100, $0x38;
	[tilespmem:$0x1C500] =	vst v63  }
0x28: {  	_ = 	snop  }
0x29: {  	[tilespmem:s23], [sflag:$0x4] =	stream.linear.gather [hbm4b:s11+s5], $0x100, $0x38;
	[tilespmem:$0x1C500] =	vst v63  }
0x2a: {  	_ =	swait.ge [sflag:s24], $0x100  }
0x2b: {  	[sflag:s24] =	ssyncset.done $0x0  }
0x2c: {  	[sflag:s24] =	ssyncadd.s32 $0xFFFFFF00  }
0x2d: {  	[tilespmem:s26], [sflag:$0x1] =	stream.indirect.gather [hbm4b:s6+s25], $0x80, s5, s25, $0xb8;
	[tilespmem:$0x1C500] =	vst v63  }
0x2e: {  	_ =	swait.ge [sflag:s28], $0x4000  }
0x2f: {  	[sflag:s28] =	ssyncset.done $0x0  }
0x30: {  	[sflag:s28] =	ssyncadd.s32 $0xFFFFC000  }
0x31: {  	_ =	swait.ge [sflag:s29], $0x100  }
0x32: {  	[sflag:s29] =	ssyncset.done $0x0  }
0x33: {  	[sflag:s29] =	ssyncadd.s32 $0xFFFFFF00  }
0x34: {  	[tilespmem:s30], [sflag:$0x2] =	stream.indirect.gather [hbm4b:s6+s25], $0x80, s23, s25, $0xb8;
	[tilespmem:$0x1C500] =	vst v63  }
0x35: {  	_ = 	snop  }
0x36: {  	[spmem:s3] =	stream.indirect.scatter.add.f32 [tilespmem:s26], [sflag:$0x5], $0x80, s25, s25, $0xb8;
	[tilespmem:$0x1C500] =	vst v63  }
0x37: {  	_ =	swait.ge [sflag:s20], $0x4000  }
0x38: {  	[sflag:s20] =	ssyncset.done $0x0  }
0x39: {  	[sflag:s20] =	ssyncadd.s32 $0xFFFFC000  }
0x3a: {  	[spmem:s4] =	stream.indirect.scatter.add.f32 [tilespmem:s22], [sflag:$0x5], $0x1, s25, s25, $0xb8;
	[tilespmem:$0x1C500] =	vst v63  }
0x3b: {  	_ =	swait.ge [sflag:s20], $0x80  }
0x3c: {  	[sflag:s20] =	ssyncset.done $0x0  }
0x3d: {  	s8 =	sadd.s32 $0x0, s17;
	[sflag:s20] =	ssyncadd.s32 $0xFFFFFF80  }
0x3e: {  	[tilespmem:s5], [sflag:$0x3] =	stream.linear.gather [hbm4b:s8+s5], $0x100, $0x38;
	[tilespmem:$0x1C500] =	vst v63  }
0x3f: {  	_ =	swait.ge [sflag:s31], $0x4000  }
0x40: {  	[sflag:s31] =	ssyncset.done $0x0  }
0x41: {  	[sflag:s31] =	ssyncadd.s32 $0xFFFFC000  }
0x42: {  	_ =	swait.ge [sflag:s24], $0x100  }
0x43: {  	[sflag:s24] =	ssyncset.done $0x0  }
0x44: {  	[sflag:s24] =	ssyncadd.s32 $0xFFFFFF00  }
0x45: {  	[tilespmem:s26], [sflag:$0x1] =	stream.indirect.gather [hbm4b:s6+s25], $0x80, s5, s25, $0xb8;
	[tilespmem:$0x1C500] =	vst v63  }
0x46: {  	_ = 	snop  }
0x47: {  	[spmem:s3] =	stream.indirect.scatter.add.f32 [tilespmem:s30], [sflag:$0x5], $0x80, s2, s25, $0xb8;
	[tilespmem:$0x1C500] =	vst v63  }
0x48: {  	_ =	swait.ge [sflag:s20], $0x4000  }
0x49: {  	[sflag:s20] =	ssyncset.done $0x0  }
0x4a: {  	[sflag:s20] =	ssyncadd.s32 $0xFFFFC000  }
0x4b: {  	[spmem:s4] =	stream.indirect.scatter.add.f32 [tilespmem:s22], [sflag:$0x5], $0x1, s2, s25, $0xb8;
	[tilespmem:$0x1C500] =	vst v63  }
0x4c: {  	_ =	swait.ge [sflag:s20], $0x80  }
0x4d: {  	[sflag:s20] =	ssyncset.done $0x0  }
0x4e: {  	s1 =	simm.s32 $0x40;
	s7 =	sadd.s32 $0x0, s18;
	[sflag:s20] =	ssyncadd.s32 $0xFFFFFF80  }
.LBB2_2:
0x4f: {  	[tilespmem:s23], [sflag:$0x4] =	stream.linear.gather [hbm4b:s7+s5], $0x100, $0x38;
	[tilespmem:$0x1C500] =	vst v63  }
0x50: {  	s7 =	smov.u32 s1  }
0x51: {  	p0 =	sne.s32 s1, $0x940;
	s1 =	sadd.s32 $0x40, s1;
	_ =	swait.ge [sflag:s28], $0x4000  }
0x52: {  	[sflag:s28] =	ssyncset.done $0x0  }
0x53: {  	[sflag:s28] =	ssyncadd.s32 $0xFFFFC000  }
0x54: {  	_ =	swait.ge [sflag:s29], $0x100  }
0x55: {  	[sflag:s29] =	ssyncset.done $0x0  }
0x56: {  	[sflag:s29] =	ssyncadd.s32 $0xFFFFFF00  }
0x57: {  	[tilespmem:s30], [sflag:$0x2] =	stream.indirect.gather [hbm4b:s6+s25], $0x80, s23, s25, $0xb8;
	[tilespmem:$0x1C500] =	vst v63  }
0x58: {  	_ = 	snop  }
0x59: {  	[spmem:s3] =	stream.indirect.scatter.add.f32 [tilespmem:s26], [sflag:$0x5], $0x80, s25, s25, $0xb8;
	[tilespmem:$0x1C500] =	vst v63  }
0x5a: {  	_ =	swait.ge [sflag:s20], $0x4000  }
0x5b: {  	[sflag:s20] =	ssyncset.done $0x0  }
0x5c: {  	[sflag:s20] =	ssyncadd.s32 $0xFFFFC000  }
0x5d: {  	[spmem:s4] =	stream.indirect.scatter.add.f32 [tilespmem:s22], [sflag:$0x5], $0x1, s25, s25, $0xb8;
	[tilespmem:$0x1C500] =	vst v63  }
0x5e: {  	_ =	swait.ge [sflag:s20], $0x80  }
0x5f: {  	[sflag:s20] =	ssyncset.done $0x0  }
0x60: {  	s8 =	sadd.s32 s7, s17;
	[sflag:s20] =	ssyncadd.s32 $0xFFFFFF80  }
0x61: {  	[tilespmem:s5], [sflag:$0x3] =	stream.linear.gather [hbm4b:s8+s5], $0x100, $0x38;
	[tilespmem:$0x1C500] =	vst v63  }
0x62: {  	_ =	swait.ge [sflag:s31], $0x4000  }
0x63: {  	[sflag:s31] =	ssyncset.done $0x0  }
0x64: {  	[sflag:s31] =	ssyncadd.s32 $0xFFFFC000  }
0x65: {  	_ =	swait.ge [sflag:s24], $0x100  }
0x66: {  	[sflag:s24] =	ssyncset.done $0x0  }
0x67: {  	[sflag:s24] =	ssyncadd.s32 $0xFFFFFF00  }
0x68: {  	[tilespmem:s26], [sflag:$0x1] =	stream.indirect.gather [hbm4b:s6+s25], $0x80, s5, s25, $0xb8;
	[tilespmem:$0x1C500] =	vst v63  }
0x69: {  	_ = 	snop  }
0x6a: {  	[spmem:s3] =	stream.indirect.scatter.add.f32 [tilespmem:s30], [sflag:$0x5], $0x80, s2, s25, $0xb8;
	[tilespmem:$0x1C500] =	vst v63  }
0x6b: {  	_ =	swait.ge [sflag:s20], $0x4000  }
0x6c: {  	[sflag:s20] =	ssyncset.done $0x0  }
.Ltmp0:
0x6d: {  	[sflag:s20] =	ssyncadd.s32 $0xFFFFC000;
	(pc) =	sbr.rel @p0 .LBB2_2-.Ltmp0, $4  }
0x6e: {  	[spmem:s4] =	stream.indirect.scatter.add.f32 [tilespmem:s22], [sflag:$0x5], $0x1, s2, s25, $0xb8;
	[tilespmem:$0x1C500] =	vst v63  }
0x6f: {  	_ =	swait.ge [sflag:s20], $0x80  }
0x70: {  	[sflag:s20] =	ssyncset.done $0x0  }
0x71: {  	s7 =	sadd.s32 s7, s18;
	[sflag:s20] =	ssyncadd.s32 $0xFFFFFF80  }
0x72: {  	[tilespmem:s23], [sflag:$0x4] =	stream.linear.gather [hbm4b:s7+s5], $0x100, $0x38;
	[tilespmem:$0x1C500] =	vst v63  }
0x73: {  	_ =	swait.ge [sflag:s28], $0x4000  }
0x74: {  	[sflag:s28] =	ssyncset.done $0x0  }
0x75: {  	[sflag:s28] =	ssyncadd.s32 $0xFFFFC000  }
0x76: {  	_ =	swait.ge [sflag:s29], $0x100  }
0x77: {  	[sflag:s29] =	ssyncset.done $0x0  }
0x78: {  	[sflag:s29] =	ssyncadd.s32 $0xFFFFFF00  }
0x79: {  	[tilespmem:s30], [sflag:$0x2] =	stream.indirect.gather [hbm4b:s6+s25], $0x80, s23, s25, $0xb8;
	[tilespmem:$0x1C500] =	vst v63  }
0x7a: {  	_ = 	snop  }
0x7b: {  	[spmem:s3] =	stream.indirect.scatter.add.f32 [tilespmem:s26], [sflag:$0x5], $0x80, s25, s25, $0xb8;
	[tilespmem:$0x1C500] =	vst v63  }
0x7c: {  	_ =	swait.ge [sflag:s20], $0x4000  }
0x7d: {  	[sflag:s20] =	ssyncset.done $0x0  }
0x7e: {  	[sflag:s20] =	ssyncadd.s32 $0xFFFFC000  }
0x7f: {  	[spmem:s4] =	stream.indirect.scatter.add.f32 [tilespmem:s22], [sflag:$0x5], $0x1, s25, s25, $0xb8;
	[tilespmem:$0x1C500] =	vst v63  }
0x80: {  	_ =	swait.ge [sflag:s20], $0x80  }
0x81: {  	[sflag:s20] =	ssyncset.done $0x0  }
0x82: {  	[sflag:s20] =	ssyncadd.s32 $0xFFFFFF80  }
0x83: {  	[tilespmem:s5], [sflag:$0x3] =	stream.linear.gather [hbm4b:s16+s5], $0x100, $0x38;
	[tilespmem:$0x1C500] =	vst v63  }
0x84: {  	_ =	swait.ge [sflag:s31], $0x4000  }
0x85: {  	[sflag:s31] =	ssyncset.done $0x0  }
0x86: {  	[sflag:s31] =	ssyncadd.s32 $0xFFFFC000  }
0x87: {  	_ =	swait.ge [sflag:s24], $0x100  }
0x88: {  	[sflag:s24] =	ssyncset.done $0x0  }
0x89: {  	[sflag:s24] =	ssyncadd.s32 $0xFFFFFF00  }
0x8a: {  	[tilespmem:s26], [sflag:$0x1] =	stream.indirect.gather [hbm4b:s6+s25], $0x80, s5, s25, $0xb8;
	[tilespmem:$0x1C500] =	vst v63  }
0x8b: {  	_ = 	snop  }
0x8c: {  	[spmem:s3] =	stream.indirect.scatter.add.f32 [tilespmem:s30], [sflag:$0x5], $0x80, s2, s25, $0xb8;
	[tilespmem:$0x1C500] =	vst v63  }
0x8d: {  	_ =	swait.ge [sflag:s20], $0x4000  }
0x8e: {  	[sflag:s20] =	ssyncset.done $0x0  }
0x8f: {  	[sflag:s20] =	ssyncadd.s32 $0xFFFFC000  }
0x90: {  	[spmem:s4] =	stream.indirect.scatter.add.f32 [tilespmem:s22], [sflag:$0x5], $0x1, s2, s25, $0xb8;
	[tilespmem:$0x1C500] =	vst v63  }
0x91: {  	_ =	swait.ge [sflag:s20], $0x80  }
0x92: {  	[sflag:s20] =	ssyncset.done $0x0  }
0x93: {  	[sflag:s20] =	ssyncadd.s32 $0xFFFFFF80  }
0x94: {  	[tilespmem:s23], [sflag:$0x4] =	stream.linear.gather [hbm4b:s15+s5], $0x100, $0x38;
	[tilespmem:$0x1C500] =	vst v63  }
0x95: {  	_ =	swait.ge [sflag:s28], $0x4000  }
0x96: {  	[sflag:s28] =	ssyncset.done $0x0  }
0x97: {  	[sflag:s28] =	ssyncadd.s32 $0xFFFFC000  }
0x98: {  	_ =	swait.ge [sflag:s29], $0x100  }
0x99: {  	[sflag:s29] =	ssyncset.done $0x0  }
0x9a: {  	[sflag:s29] =	ssyncadd.s32 $0xFFFFFF00  }
0x9b: {  	[tilespmem:s30], [sflag:$0x2] =	stream.indirect.gather [hbm4b:s6+s25], $0x80, s23, s25, $0xb8;
	[tilespmem:$0x1C500] =	vst v63  }
0x9c: {  	_ = 	snop  }
0x9d: {  	[spmem:s3] =	stream.indirect.scatter.add.f32 [tilespmem:s26], [sflag:$0x5], $0x80, s25, s25, $0xb8;
	[tilespmem:$0x1C500] =	vst v63  }
0x9e: {  	_ =	swait.ge [sflag:s20], $0x4000  }
0x9f: {  	[sflag:s20] =	ssyncset.done $0x0  }
0xa0: {  	[sflag:s20] =	ssyncadd.s32 $0xFFFFC000  }
0xa1: {  	[spmem:s4] =	stream.indirect.scatter.add.f32 [tilespmem:s22], [sflag:$0x5], $0x1, s25, s25, $0xb8;
	[tilespmem:$0x1C500] =	vst v63  }
0xa2: {  	_ =	swait.ge [sflag:s20], $0x80  }
0xa3: {  	[sflag:s20] =	ssyncset.done $0x0  }
0xa4: {  	[sflag:s20] =	ssyncadd.s32 $0xFFFFFF80  }
0xa5: {  	[tilespmem:s5], [sflag:$0x3] =	stream.linear.gather [hbm4b:s15+s5], $0x100, $0x38;
	[tilespmem:$0x1C500] =	vst v63  }
0xa6: {  	_ =	swait.ge [sflag:s31], $0x4000  }
0xa7: {  	[sflag:s31] =	ssyncset.done $0x0  }
0xa8: {  	[sflag:s31] =	ssyncadd.s32 $0xFFFFC000  }
0xa9: {  	_ =	swait.ge [sflag:s24], $0x100  }
0xaa: {  	[sflag:s24] =	ssyncset.done $0x0  }
0xab: {  	[sflag:s24] =	ssyncadd.s32 $0xFFFFFF00  }
0xac: {  	[tilespmem:s26], [sflag:$0x1] =	stream.indirect.gather [hbm4b:s6+s25], $0x80, s5, s25, $0xb8;
	[tilespmem:$0x1C500] =	vst v63  }
0xad: {  	_ = 	snop  }
0xae: {  	[spmem:s3] =	stream.indirect.scatter.add.f32 [tilespmem:s30], [sflag:$0x5], $0x80, s2, s25, $0xb8;
	[tilespmem:$0x1C500] =	vst v63  }
0xaf: {  	_ =	swait.ge [sflag:s20], $0x4000  }
0xb0: {  	[sflag:s20] =	ssyncset.done $0x0  }
0xb1: {  	[sflag:s20] =	ssyncadd.s32 $0xFFFFC000  }
0xb2: {  	[spmem:s4] =	stream.indirect.scatter.add.f32 [tilespmem:s22], [sflag:$0x5], $0x1, s2, s25, $0xb8;
	[tilespmem:$0x1C500] =	vst v63  }
0xb3: {  	_ =	swait.ge [sflag:s20], $0x80  }
0xb4: {  	[sflag:s20] =	ssyncset.done $0x0  }
0xb5: {  	[sflag:s20] =	ssyncadd.s32 $0xFFFFFF80  }
0xb6: {  	[tilespmem:s23], [sflag:$0x4] =	stream.linear.gather [hbm4b:s15+s5], $0x100, $0x38;
	[tilespmem:$0x1C500] =	vst v63  }
0xb7: {  	_ =	swait.ge [sflag:s28], $0x4000  }
0xb8: {  	[sflag:s28] =	ssyncset.done $0x0  }
0xb9: {  	[sflag:s28] =	ssyncadd.s32 $0xFFFFC000  }
0xba: {  	_ =	swait.ge [sflag:s29], $0x100  }
0xbb: {  	[sflag:s29] =	ssyncset.done $0x0  }
0xbc: {  	[sflag:s29] =	ssyncadd.s32 $0xFFFFFF00  }
0xbd: {  	[bflag:$0x0] =	sbarrier.arrive $0xFFFF  }
0xbe: {  	[hbm:s12], [sflag:s9] =	dma.local [spmem:s19], $0x2800  }
0xbf: {  	s0 =	sadd.s32 $0x1, s0;
	_ =	swait.ge [sflag:s20], $0x2800  }
0xc0: {  	p0 =	sne.s32 s0, s14;
	[sflag:s20] =	ssyncset.done $0x0  }
.Ltmp1:
0xc1: {  	[sflag:s20] =	ssyncadd.s32 $0xFFFFD800;
	(pc) =	sbr.rel @p0 .LBB2_1-.Ltmp1, $4  }
0xc2: {  	[hbm:s13], [sflag:s9] =	dma.local [spmem:s21], $0x50  }
0xc3: {  	_ =	swait.ge [sflag:s20], $0x50  }
0xc4: {  	[sflag:s20] =	ssyncset.done $0x0  }
0xc5: {  	[sflag:s20] =	ssyncadd.s32 $0xFFFFFFB0  }
0xc6: {  	_ =	sfence.sel $0x180000  }
0xc7: {  	[bflag:$0x0] =	sbarrier.arrive $0xFFFF  }
0xc8: {  	_ =	strace $0x90000047  }
0xc9: {  	s0 =	stileid.u32;
	[bflag:$0x2] =	sbarrier.arrive $0xFFFF  }
0xca: {  	p0 =	sne.s32 s0, $0x0;
	s0 =	rddreg [dreg:$0x4]  }
0xcb: {  	s0 =	sadd.s32 @!p0 $0x100000, s0  }
0xcc: {  	[sflag:s0] =	ssyncadd.tile.s32 @!p0 $0x1;
	_ =	shalt  }
.Lfunc_end2:
_tile_overlayer_lowered:
.L_overlay_start_2:
0xcd: {  	(tag) =	ssettag $0x2  }
0xce: {  	s0 =	rddreg [dreg:$0x0];
	s2 =	stileid.u32  }
0xcf: {  	s1 =	rddreg [dreg:$0x1];
	p0 =	sne.s32 s2, $0x0  }
0xd0: {  	s3 =	rddreg [dreg:$0x2];
	[bflag:$0x3] =	sbarrier.arrive $0xFFFF;
	s2 =	simm.s32 @!p0 $0x1C05  }
0xd1: {  	[timem:s3], [sflag:s2] =	dma.local @!p0 [hbm:s0], s1  }
0xd2: {  	s0 =	simm.s32 @!p0 $0x5  }
0xd3: {  	_ =	swait.ge @!p0 [sflag:s0], s1  }
0xd4: {  	s1 =	ssub.s32 @!p0 $0x0, s1;
	[sflag:s0] =	ssyncset.done @!p0 $0x0  }
0xd5: {  	[sflag:s0] =	ssyncadd.s32 @!p0 s1  }
0xd6: {  	[bflag:$0x3] =	sbarrier.arrive $0xFFFF  }
0xd7: {  	_ =	shalt  }

</sc_bundles>
